<compile_context>
chip_gen: v7x
topology: tpu7x:2x2x1
jax: 0.10.2.dev20260603
libtpu: 0.0.44.dev20260713+nightly
codegen_flags: <defaults>
</compile_context>

<pallas_src>
import functools
import math

import jax
import jax.numpy as jnp
from jax import lax
from jax.experimental import pallas as pl
from jax.experimental.pallas import tpu as pltpu
from jax.experimental.pallas import tpu_sc as plsc

LN2 = math.log(2.0)

_N = 100000
_E = 6400000
_D = 128

_BLK = 8192
_NBLK = 13
_TROW = 416
_TCOL = 256
_N_PAD = _TROW * _TCOL
_NC, _NS = 2, 16
_NW = _NC * _NS
_SLICE = _N_PAD // _NS
_C = 2560
_NK = _E // _C
_KPW = _NK // _NW
_REM = _NK - _KPW * _NW


def _mlp_body(x_ref, w0_ref, b0_ref, w1_ref, w2_ref, w3_ref, b3_ref,
              ang_ref, scl_ref):
    dn = (((1,), (1,)), ((), ()))
    x = x_ref[...]
    h = jnp.maximum(
        lax.dot_general(x, w0_ref[...], dn, preferred_element_type=jnp.float32)
        + b0_ref[...], 0.0)
    h = jnp.maximum(
        lax.dot_general(h, w1_ref[...], dn, preferred_element_type=jnp.float32),
        0.0)
    h = jnp.maximum(
        lax.dot_general(h, w2_ref[...], dn, preferred_element_type=jnp.float32),
        0.0)
    a = (lax.dot_general(w3_ref[...], h, dn, preferred_element_type=jnp.float32)
         + b3_ref[0])
    a8 = jnp.concatenate(jnp.split(a, 32, axis=1), axis=0)
    ang_ref[...] = a8
    scl_ref[...] = a8 * LN2


def _mlp(coeffs, W0, b0, W1, W2, W3, b3):
    full = lambda i: (0, 0)
    return pl.pallas_call(
        _mlp_body,
        grid=(_NBLK,),
        in_specs=[
            pl.BlockSpec((_BLK, _D), lambda i: (i, 0)),
            pl.BlockSpec((_D, _D), full),
            pl.BlockSpec((1, _D), full),
            pl.BlockSpec((_D, _D), full),
            pl.BlockSpec((_D, _D), full),
            pl.BlockSpec((1, _D), full),
            pl.BlockSpec(memory_space=pltpu.SMEM),
        ],
        out_specs=[
            pl.BlockSpec((32, _TCOL), lambda i: (i, 0)),
            pl.BlockSpec((32, _TCOL), lambda i: (i, 0)),
        ],
        out_shape=[
            jax.ShapeDtypeStruct((_TROW, _TCOL), jnp.float32),
            jax.ShapeDtypeStruct((_TROW, _TCOL), jnp.float32),
        ],
    )(coeffs, W0, b0.reshape(1, _D), W1, W2, W3, b3)


@functools.partial(
    pl.kernel,
    out_type=jax.ShapeDtypeStruct((_NC, _N_PAD), jnp.float32),
    mesh=plsc.VectorSubcoreMesh(core_axis_name="c", subcore_axis_name="s"),
    compiler_params=pltpu.CompilerParams(needs_layout_passes=False),
    scratch_types=[
        pltpu.VMEM((_N,), jnp.float32),
        pltpu.VMEM((2, _C), jnp.int32),
        pltpu.VMEM((2, _C), jnp.int32),
        pltpu.VMEM((_C // 2,), jnp.int32),
        pltpu.VMEM((_C // 2,), jnp.int32),
        pltpu.VMEM((_C // 2,), jnp.int32),
        pltpu.VMEM((_C // 2,), jnp.int32),
        pltpu.VMEM((_C // 2,), jnp.float32),
        pltpu.VMEM((_C // 2,), jnp.float32),
        pltpu.VMEM((_C // 2,), jnp.float32),
        pltpu.VMEM((_C // 2,), jnp.float32),
        pltpu.VMEM((_SLICE // 2,), jnp.float32),
        pltpu.VMEM_SHARED((_N_PAD,), jnp.float32),
        pltpu.SemaphoreType.DMA,
        pltpu.SemaphoreType.DMA,
        pltpu.SemaphoreType.DMA,
        pltpu.SemaphoreType.DMA,
        pltpu.SemaphoreType.DMA,
        pltpu.SemaphoreType.DMA,
    ],
)
def _scatter(scaled_hbm, edge_hbm, out_hbm,
             ang_t, ed_a, ed_b, row_a0, row_a1, row_b0, row_b1,
             val_a0, val_a1, val_b0, val_b1, zbuf, step_sh,
             es_a, es_b, ss_a0, ss_a1, ss_b0, ss_b1):
    c = lax.axis_index("c")
    s = lax.axis_index("s")
    wid = s * _NC + c
    kbase = wid * _KPW

    @plsc.parallel_loop(0, _SLICE // 2, step=16, unroll=8)
    def _zero(i):
        zbuf[pl.ds(i, 16)] = jnp.zeros((16,), jnp.float32)

    pltpu.sync_copy(zbuf, step_sh.at[pl.ds(s * _SLICE, _SLICE // 2)])
    pltpu.sync_copy(zbuf,
                    step_sh.at[pl.ds(s * _SLICE + _SLICE // 2, _SLICE // 2)])
    pltpu.sync_copy(scaled_hbm, ang_t)
    plsc.subcore_barrier()

    def _echunk(k):
        return edge_hbm.at[:, pl.ds(pl.multiple_of(k * _C, 128), _C)]

    def _gather_chunk(edb, rows, vals):
        for kk in range(2):
            @plsc.parallel_loop(0, _C // 2, step=16, unroll=8)
            def _gather(i, kk=kk):
                idx = edb[1, pl.ds(kk * (_C // 2) + i, 16)]
                vals[kk][pl.ds(i, 16)] = plsc.load_gather(ang_t, [idx])
                rows[kk][pl.ds(i, 16)] = edb[0, pl.ds(kk * (_C // 2) + i, 16)]

    pltpu.async_copy(_echunk(kbase), ed_a, es_a)
    pltpu.async_copy(_echunk(kbase + 1), ed_b, es_b)

    def _half(j, edb, rows, vals, es, ss0, ss1):
        pltpu.make_async_copy(_echunk(0), edb, es).wait()

        @pl.when(j >= 2)
        def _():
            pltpu.make_async_copy(vals[0], step_sh.at[rows[0]], ss0).wait()
            pltpu.make_async_copy(vals[1], step_sh.at[rows[1]], ss1).wait()

        _gather_chunk(edb, rows, vals)

        nk = jnp.minimum(kbase + j + 2, _NK - 1)
        pltpu.async_copy(_echunk(nk), edb, es)

        pltpu.async_copy(vals[0], step_sh.at[rows[0]], ss0, add=True)
        pltpu.async_copy(vals[1], step_sh.at[rows[1]], ss1, add=True)

    def _pair(p, carry):
        _half(p * 2, ed_a, (row_a0, row_a1), (val_a0, val_a1),
              es_a, ss_a0, ss_a1)
        _half(p * 2 + 1, ed_b, (row_b0, row_b1), (val_b0, val_b1),
              es_b, ss_b0, ss_b1)
        return carry

    lax.fori_loop(0, _KPW // 2, _pair, 0)

    pltpu.make_async_copy(val_a0, step_sh.at[row_a0], ss_a0).wait()
    pltpu.make_async_copy(val_a1, step_sh.at[row_a1], ss_a1).wait()
    pltpu.make_async_copy(val_b0, step_sh.at[row_b0], ss_b0).wait()
    pltpu.make_async_copy(val_b1, step_sh.at[row_b1], ss_b1).wait()
    pltpu.make_async_copy(_echunk(0), ed_a, es_a).wait()
    pltpu.make_async_copy(_echunk(0), ed_b, es_b).wait()

    @pl.when(wid < _REM)
    def _rem():
        pltpu.sync_copy(_echunk(_KPW * _NW + wid), ed_a)
        _gather_chunk(ed_a, (row_a0, row_a1), (val_a0, val_a1))
        pltpu.sync_copy(val_a0, step_sh.at[row_a0], add=True)
        pltpu.sync_copy(val_a1, step_sh.at[row_a1], add=True)

    plsc.subcore_barrier()
    pltpu.sync_copy(step_sh.at[pl.ds(s * _SLICE, _SLICE)],
                    out_hbm.at[c, pl.ds(s * _SLICE, _SLICE)])


def _combine_body(a_ref, p0_ref, p1_ref, o_ref):
    o_ref[...] = a_ref[...] + p0_ref[...] + p1_ref[...]


def _combine(angles_r, p0, p1):
    return pl.pallas_call(
        _combine_body,
        out_shape=jax.ShapeDtypeStruct((_TROW, _TCOL), jnp.float32),
    )(angles_r, p0, p1)


def kernel(coeffs, edge_index, W0, b0, W1, W2, W3, b3):
    angles_r, scaled_r = _mlp(coeffs, W0, b0, W1, W2, W3, b3)
    partials = _scatter(scaled_r.reshape(_N_PAD)[:_N], edge_index)
    p = partials.reshape(_NC, _TROW, _TCOL)
    out = _combine(angles_r, p[0], p[1])
    return out.reshape(_N_PAD, 1)[:_N]

# --- scband reference (transcript-rebuilt; emitter-appended) ---
"""Pipeline reference for scband-ro-gpemulti-network-node-encoder-80281528697035 (READ-ONLY COPY).

The authoritative reference and input builder live on the scoring server;
editing this copy changes nothing except your own understanding.
"""

import jax, jax.numpy as jnp
import numpy as np

N = 100000
E = 6400000
D = 128


def _xavier(key, shape):
    fan_out, fan_in = shape
    std = np.sqrt(2.0 / (fan_in + fan_out))
    return jax.random.normal(key, shape, dtype=jnp.float32) * std


def setup_inputs(seed: int = 0) -> dict:
    key = jax.random.key(seed)
    ks = jax.random.split(key, 8)
    coeffs = jax.random.normal(ks[0], (N, D), dtype=jnp.float32)
    edge_index = jax.random.randint(ks[1], (2, E), 0, N, dtype=jnp.int32)
    # MLP (angle_model='MLP', n_hidden_layers=2, out_dim=1, use_bias=False on hidden layers)
    W0 = _xavier(ks[2], (D, D))
    b0 = jnp.zeros((D,), dtype=jnp.float32)
    W1 = _xavier(ks[3], (D, D))
    W2 = _xavier(ks[4], (D, D))
    W3 = _xavier(ks[5], (1, D))
    b3 = jnp.zeros((1,), dtype=jnp.float32)
    return {"coeffs": coeffs, "edge_index": edge_index,
            "W0": W0, "b0": b0, "W1": W1, "W2": W2, "W3": W3, "b3": b3}


def reference(coeffs, edge_index, W0, b0, W1, W2, W3, b3):
    # MLP: Linear(in,hid)+ReLU, 2x [Linear(hid,hid,no bias)+ReLU+Dropout(eval: identity)], Linear(hid,1)
    h = jax.nn.relu(coeffs @ W0.T + b0)
    h = jax.nn.relu(h @ W1.T)
    h = jax.nn.relu(h @ W2.T)
    angles = h @ W3.T + b3  # [N, 1]
    # aggregate_k_hop with k=1: scatter(angles[col] * log(2), row) added to angles
    row = edge_index[0]
    col = edge_index[1]
    f1 = np.log(1.0 + 1.0)
    step = jnp.zeros_like(angles).at[row].add(angles[col] * f1)
    enhanced = angles + step
    return enhanced

if __name__ == "__main__":
    import jax
    _d = setup_inputs()
    print(jax.jit(kernel)(*tuple(_d.values())))

</pallas_src>

<mosaic_0001>
#map = affine_map<(d0, d1) -> (0)>
#map1 = affine_map<(d0, d1) -> (0, 0)>
module attributes {stable_mosaic.version = 14 : i64} {
  func.func @_scatter(%arg0: i32, %arg1: i32, %arg2: memref<100000xf32, #tpu.memory_space<hbm>>, %arg3: memref<2x6400000xi32, #tpu.memory_space<hbm>>, %arg4: memref<2x106496xf32, #tpu.memory_space<hbm>>, %arg5: memref<100000xf32, #tpu.memory_space<vmem>>, %arg6: memref<2x2560xi32, #tpu.memory_space<vmem>>, %arg7: memref<2x2560xi32, #tpu.memory_space<vmem>>, %arg8: memref<1280xi32, #tpu.memory_space<vmem>>, %arg9: memref<1280xi32, #tpu.memory_space<vmem>>, %arg10: memref<1280xi32, #tpu.memory_space<vmem>>, %arg11: memref<1280xi32, #tpu.memory_space<vmem>>, %arg12: memref<1280xf32, #tpu.memory_space<vmem>>, %arg13: memref<1280xf32, #tpu.memory_space<vmem>>, %arg14: memref<1280xf32, #tpu.memory_space<vmem>>, %arg15: memref<1280xf32, #tpu.memory_space<vmem>>, %arg16: memref<3328xf32, #tpu.memory_space<vmem>>, %arg17: memref<106496xf32, #tpu.memory_space<vmem_shared>>, %arg18: memref<!tpu.dma_semaphore, #tpu.memory_space<semaphore_mem>>, %arg19: memref<!tpu.dma_semaphore, #tpu.memory_space<semaphore_mem>>, %arg20: memref<!tpu.dma_semaphore, #tpu.memory_space<semaphore_mem>>, %arg21: memref<!tpu.dma_semaphore, #tpu.memory_space<semaphore_mem>>, %arg22: memref<!tpu.dma_semaphore, #tpu.memory_space<semaphore_mem>>, %arg23: memref<!tpu.dma_semaphore, #tpu.memory_space<semaphore_mem>>) attributes {dimension_semantics = [#tpu.dimension_semantics<core_parallel>, #tpu.dimension_semantics<subcore_parallel>], iteration_bounds = array<i64: 2, 16>, scalar_prefetch = 0 : i64, scratch_operands = 19 : i64, tpu.core_type = #tpu.core_type<sc_vector_subcore>, window_params = [{transform_indices = #map}, {transform_indices = #map1}, {transform_indices = #map1}]} {
    %mul3A = arith.constant 2 : i32
    %mul3A_0 = arith.muli %arg1, %mul3A : i32
    %add3A = arith.addi %mul3A_0, %arg0 : i32
    %mul3A_1 = arith.constant 78 : i32
    %mul3A_2 = arith.muli %add3A, %mul3A_1 : i32
    %parallel_loop3A = arith.constant 0 : i32
    %parallel_loop3A_3 = arith.constant 3328 : i32
    %parallel_loop3A_4 = arith.constant 16 : i32
    scf.for %parallel_loop3A_56 = %parallel_loop3A to %parallel_loop3A_3 step %parallel_loop3A_4  : i32 {
      %parallel_loop3A_57 = arith.constant 0.000000e+00 : f32
      %parallel_loop3A_58 = vector.broadcast %parallel_loop3A_57 : f32 to vector<16xf32>
      %parallel_loop3A_59 = arith.index_cast %parallel_loop3A_56 : i32 to index
      %parallel_loop3A_60 = tpu.vector_load %arg16[%parallel_loop3A_59] {strides = array<i32>} : memref<3328xf32, #tpu.memory_space<vmem>>, vector<16xf32>,
      tpu.vector_store %arg16[%parallel_loop3A_59], %parallel_loop3A_58 {strides = array<i32>} : memref<3328xf32, #tpu.memory_space<vmem>>, vector<16xf32>,
    } {sc.loop_unroll_factor = 8 : i64, sc.parallel_access}
    %mul3A_5 = arith.constant 6656 : i32
    %mul3A_6 = arith.muli %arg1, %mul3A_5 : i32
    "tpu.region"() ({
      %run_scoped3A = tpu.sem_alloc : memref<!tpu.dma_semaphore, #tpu.memory_space<semaphore_mem>>
      %dma_start3A_56 = tpu.memref_slice %arg17[%mul3A_6] : memref<106496xf32, #tpu.memory_space<vmem_shared>> -> memref<3328xf32, #tpu.memory_space<vmem_shared>>
      %dma_start3A_57 = tpu.memref_slice %arg17[%mul3A_6] : memref<106496xf32, #tpu.memory_space<vmem_shared>> -> memref<3328xf32, #tpu.memory_space<vmem_shared>>
      tpu.enqueue_dma source(%arg16 : memref<3328xf32, #tpu.memory_space<vmem>>) target(%dma_start3A_57 : memref<3328xf32, #tpu.memory_space<vmem_shared>>) target_semaphore(%run_scoped3A : memref<!tpu.dma_semaphore, #tpu.memory_space<semaphore_mem>>)
      %dma_wait3A_58 = tpu.memref_slice %arg17[%mul3A_6] : memref<106496xf32, #tpu.memory_space<vmem_shared>> -> memref<3328xf32, #tpu.memory_space<vmem_shared>>
      %dma_wait3A_59 = tpu.memref_slice %arg17[%mul3A_6] : memref<106496xf32, #tpu.memory_space<vmem_shared>> -> memref<3328xf32, #tpu.memory_space<vmem_shared>>
      tpu.wait_dma2 semaphore(%run_scoped3A : memref<!tpu.dma_semaphore, #tpu.memory_space<semaphore_mem>>) src(%arg16 : memref<3328xf32, #tpu.memory_space<vmem>>) dst(%dma_wait3A_59 : memref<3328xf32, #tpu.memory_space<vmem_shared>>)
      tpu.yield
    }) : () -> ()
    %mul3A_7 = arith.constant 6656 : i32
    %mul3A_8 = arith.muli %arg1, %mul3A_7 : i32
    %add3A_9 = arith.constant 3328 : i32
    %add3A_10 = arith.addi %mul3A_8, %add3A_9 : i32
    "tpu.region"() ({
      %run_scoped3A = tpu.sem_alloc : memref<!tpu.dma_semaphore, #tpu.memory_space<semaphore_mem>>
      %dma_start3A_56 = tpu.memref_slice %arg17[%add3A_10] : memref<106496xf32, #tpu.memory_space<vmem_shared>> -> memref<3328xf32, #tpu.memory_space<vmem_shared>>
      %dma_start3A_57 = tpu.memref_slice %arg17[%add3A_10] : memref<106496xf32, #tpu.memory_space<vmem_shared>> -> memref<3328xf32, #tpu.memory_space<vmem_shared>>
      tpu.enqueue_dma source(%arg16 : memref<3328xf32, #tpu.memory_space<vmem>>) target(%dma_start3A_57 : memref<3328xf32, #tpu.memory_space<vmem_shared>>) target_semaphore(%run_scoped3A : memref<!tpu.dma_semaphore, #tpu.memory_space<semaphore_mem>>)
      %dma_wait3A_58 = tpu.memref_slice %arg17[%add3A_10] : memref<106496xf32, #tpu.memory_space<vmem_shared>> -> memref<3328xf32, #tpu.memory_space<vmem_shared>>
      %dma_wait3A_59 = tpu.memref_slice %arg17[%add3A_10] : memref<106496xf32, #tpu.memory_space<vmem_shared>> -> memref<3328xf32, #tpu.memory_space<vmem_shared>>
      tpu.wait_dma2 semaphore(%run_scoped3A : memref<!tpu.dma_semaphore, #tpu.memory_space<semaphore_mem>>) src(%arg16 : memref<3328xf32, #tpu.memory_space<vmem>>) dst(%dma_wait3A_59 : memref<3328xf32, #tpu.memory_space<vmem_shared>>)
      tpu.yield
    }) : () -> ()
    "tpu.region"() ({
      %run_scoped3A = tpu.sem_alloc : memref<!tpu.dma_semaphore, #tpu.memory_space<semaphore_mem>>
      tpu.enqueue_dma source(%arg2 : memref<100000xf32, #tpu.memory_space<hbm>>) target(%arg5 : memref<100000xf32, #tpu.memory_space<vmem>>) target_semaphore(%run_scoped3A : memref<!tpu.dma_semaphore, #tpu.memory_space<semaphore_mem>>)
      tpu.wait_dma2 semaphore(%run_scoped3A : memref<!tpu.dma_semaphore, #tpu.memory_space<semaphore_mem>>) src(%arg2 : memref<100000xf32, #tpu.memory_space<hbm>>) dst(%arg5 : memref<100000xf32, #tpu.memory_space<vmem>>)
      tpu.yield
    }) : () -> ()
    %barrier3A = arith.constant 0 : index
    tpu.barrier barrier_id(%barrier3A)
    %mul3A_11 = arith.constant 2560 : i32
    %mul3A_12 = arith.muli %mul3A_2, %mul3A_11 : i32
    %multiple_of3A = tpu.assume_multiple %mul3A_12, 128 : i32
    %dma_start3A = arith.constant 0 : i32
    %dma_start3A_13 = tpu.memref_slice %arg3[%dma_start3A, %multiple_of3A] : memref<2x6400000xi32, #tpu.memory_space<hbm>> -> memref<2x2560xi32, #tpu.memory_space<hbm>>
    %dma_start3A_14 = arith.constant 0 : i32
    %dma_start3A_15 = tpu.memref_slice %arg3[%dma_start3A_14, %multiple_of3A] : memref<2x6400000xi32, #tpu.memory_space<hbm>> -> memref<2x2560xi32, #tpu.memory_space<hbm>>
    tpu.enqueue_dma source(%dma_start3A_15 : memref<2x2560xi32, #tpu.memory_space<hbm>>) target(%arg6 : memref<2x2560xi32, #tpu.memory_space<vmem>>) target_semaphore(%arg18 : memref<!tpu.dma_semaphore, #tpu.memory_space<semaphore_mem>>)
    %add3A_16 = arith.constant 1 : i32
    %add3A_17 = arith.addi %mul3A_2, %add3A_16 : i32
    %mul3A_18 = arith.constant 2560 : i32
    %mul3A_19 = arith.muli %add3A_17, %mul3A_18 : i32
    %multiple_of3A_20 = tpu.assume_multiple %mul3A_19, 128 : i32
    %dma_start3A_21 = arith.constant 0 : i32
    %dma_start3A_22 = tpu.memref_slice %arg3[%dma_start3A_21, %multiple_of3A_20] : memref<2x6400000xi32, #tpu.memory_space<hbm>> -> memref<2x2560xi32, #tpu.memory_space<hbm>>
    %dma_start3A_23 = arith.constant 0 : i32
    %dma_start3A_24 = tpu.memref_slice %arg3[%dma_start3A_23, %multiple_of3A_20] : memref<2x6400000xi32, #tpu.memory_space<hbm>> -> memref<2x2560xi32, #tpu.memory_space<hbm>>
    tpu.enqueue_dma source(%dma_start3A_24 : memref<2x2560xi32, #tpu.memory_space<hbm>>) target(%arg7 : memref<2x2560xi32, #tpu.memory_space<vmem>>) target_semaphore(%arg19 : memref<!tpu.dma_semaphore, #tpu.memory_space<semaphore_mem>>)
    %scan3A = arith.constant 0 : i32
    %scan3A_25 = arith.constant 0 : i32
    %scan3A_26 = arith.constant 39 : i32
    %scan3A_27 = arith.addi %scan3A_25, %scan3A_26 : i32
    %scan3A_28 = arith.constant 1 : i32
    scf.for %scan3A_56 = %scan3A_25 to %scan3A_27 step %scan3A_28  : i32 {
      %mul3A_57 = arith.constant 2 : i32
      %mul3A_58 = arith.muli %scan3A_56, %mul3A_57 : i32
      %multiple_of3A_59 = arith.constant 0 : i32
      %multiple_of3A_60 = tpu.assume_multiple %multiple_of3A_59, 128 : i32
      %dma_wait3A_61 = arith.constant 0 : i32
      %dma_wait3A_62 = tpu.memref_slice %arg3[%dma_wait3A_61, %multiple_of3A_60] : memref<2x6400000xi32, #tpu.memory_space<hbm>> -> memref<2x2560xi32, #tpu.memory_space<hbm>>
      %dma_wait3A_63 = arith.constant 0 : i32
      %dma_wait3A_64 = tpu.memref_slice %arg3[%dma_wait3A_63, %multiple_of3A_60] : memref<2x6400000xi32, #tpu.memory_space<hbm>> -> memref<2x2560xi32, #tpu.memory_space<hbm>>
      tpu.wait_dma2 semaphore(%arg18 : memref<!tpu.dma_semaphore, #tpu.memory_space<semaphore_mem>>) src(%dma_wait3A_64 : memref<2x2560xi32, #tpu.memory_space<hbm>>) dst(%arg6 : memref<2x2560xi32, #tpu.memory_space<vmem>>)
      %ge3A = arith.constant 2 : i32
      %ge3A_65 = arith.cmpi sge, %mul3A_58, %ge3A : i32
      %convert_element_type3A_66 = arith.extui %ge3A_65 : i1 to i32
      %cond3A_67 = arith.constant 0 : i32
      %cond3A_68 = arith.cmpi ne, %convert_element_type3A_66, %cond3A_67 : i32
      scf.if %cond3A_68 {
        %dma_wait3A_127 = arith.constant 0 : i32
        %dma_wait3A_128 = tpu.memref_slice %arg17[%dma_wait3A_127] : memref<106496xf32, #tpu.memory_space<vmem_shared>> -> memref<106496xf32, #tpu.memory_space<vmem_shared>>
        tpu.wait_indirect_dma semaphore(%arg20 : memref<!tpu.dma_semaphore, #tpu.memory_space<semaphore_mem>>) src(%arg12 : memref<1280xf32, #tpu.memory_space<vmem>>) dst(%dma_wait3A_128 : memref<106496xf32, #tpu.memory_space<vmem_shared>>)
        %dma_wait3A_129 = arith.constant 0 : i32
        %dma_wait3A_130 = tpu.memref_slice %arg17[%dma_wait3A_129] : memref<106496xf32, #tpu.memory_space<vmem_shared>> -> memref<106496xf32, #tpu.memory_space<vmem_shared>>
        tpu.wait_indirect_dma semaphore(%arg21 : memref<!tpu.dma_semaphore, #tpu.memory_space<semaphore_mem>>) src(%arg13 : memref<1280xf32, #tpu.memory_space<vmem>>) dst(%dma_wait3A_130 : memref<106496xf32, #tpu.memory_space<vmem_shared>>)
      } else {
      }
      %parallel_loop3A_69 = arith.constant 0 : i32
      %parallel_loop3A_70 = arith.constant 1280 : i32
      %parallel_loop3A_71 = arith.constant 16 : i32
      scf.for %parallel_loop3A_127 = %parallel_loop3A_69 to %parallel_loop3A_70 step %parallel_loop3A_71  : i32 {
        %parallel_loop3A_128 = arith.constant 0 : i32
        %parallel_loop3A_129 = arith.addi %parallel_loop3A_128, %parallel_loop3A_127 : i32
        %parallel_loop3A_130 = arith.constant 1 : i32
        %parallel_loop3A_131 = arith.index_cast %parallel_loop3A_130 : i32 to index
        %parallel_loop3A_132 = arith.index_cast %parallel_loop3A_129 : i32 to index
        %parallel_loop3A_133 = tpu.vector_load %arg6[%parallel_loop3A_131, %parallel_loop3A_132] {strides = array<i32>} : memref<2x2560xi32, #tpu.memory_space<vmem>>, vector<16xi32>,
        %parallel_loop3A_134 = tpu.vector_load_idx %arg5[%parallel_loop3A_133] : memref<100000xf32, #tpu.memory_space<vmem>>[vector<16xi32>], vector<16xf32>,
        %parallel_loop3A_135 = arith.index_cast %parallel_loop3A_127 : i32 to index
        %parallel_loop3A_136 = tpu.vector_load %arg12[%parallel_loop3A_135] {strides = array<i32>} : memref<1280xf32, #tpu.memory_space<vmem>>, vector<16xf32>,
        tpu.vector_store %arg12[%parallel_loop3A_135], %parallel_loop3A_134 {strides = array<i32>} : memref<1280xf32, #tpu.memory_space<vmem>>, vector<16xf32>,
        %parallel_loop3A_137 = arith.constant 0 : i32
        %parallel_loop3A_138 = arith.addi %parallel_loop3A_137, %parallel_loop3A_127 : i32
        %parallel_loop3A_139 = arith.constant 0 : i32
        %parallel_loop3A_140 = arith.index_cast %parallel_loop3A_139 : i32 to index
        %parallel_loop3A_141 = arith.index_cast %parallel_loop3A_138 : i32 to index
        %parallel_loop3A_142 = tpu.vector_load %arg6[%parallel_loop3A_140, %parallel_loop3A_141] {strides = array<i32>} : memref<2x2560xi32, #tpu.memory_space<vmem>>, vector<16xi32>,
        %parallel_loop3A_143 = arith.index_cast %parallel_loop3A_127 : i32 to index
        %parallel_loop3A_144 = tpu.vector_load %arg8[%parallel_loop3A_143] {strides = array<i32>} : memref<1280xi32, #tpu.memory_space<vmem>>, vector<16xi32>,
        tpu.vector_store %arg8[%parallel_loop3A_143], %parallel_loop3A_142 {strides = array<i32>} : memref<1280xi32, #tpu.memory_space<vmem>>, vector<16xi32>,
      } {sc.loop_unroll_factor = 8 : i64, sc.parallel_access}
      %parallel_loop3A_72 = arith.constant 0 : i32
      %parallel_loop3A_73 = arith.constant 1280 : i32
      %parallel_loop3A_74 = arith.constant 16 : i32
      scf.for %parallel_loop3A_127 = %parallel_loop3A_72 to %parallel_loop3A_73 step %parallel_loop3A_74  : i32 {
        %parallel_loop3A_128 = arith.constant 1280 : i32
        %parallel_loop3A_129 = arith.addi %parallel_loop3A_128, %parallel_loop3A_127 : i32
        %parallel_loop3A_130 = arith.constant 1 : i32
        %parallel_loop3A_131 = arith.index_cast %parallel_loop3A_130 : i32 to index
        %parallel_loop3A_132 = arith.index_cast %parallel_loop3A_129 : i32 to index
        %parallel_loop3A_133 = tpu.vector_load %arg6[%parallel_loop3A_131, %parallel_loop3A_132] {strides = array<i32>} : memref<2x2560xi32, #tpu.memory_space<vmem>>, vector<16xi32>,
        %parallel_loop3A_134 = tpu.vector_load_idx %arg5[%parallel_loop3A_133] : memref<100000xf32, #tpu.memory_space<vmem>>[vector<16xi32>], vector<16xf32>,
        %parallel_loop3A_135 = arith.index_cast %parallel_loop3A_127 : i32 to index
        %parallel_loop3A_136 = tpu.vector_load %arg13[%parallel_loop3A_135] {strides = array<i32>} : memref<1280xf32, #tpu.memory_space<vmem>>, vector<16xf32>,
        tpu.vector_store %arg13[%parallel_loop3A_135], %parallel_loop3A_134 {strides = array<i32>} : memref<1280xf32, #tpu.memory_space<vmem>>, vector<16xf32>,
        %parallel_loop3A_137 = arith.constant 1280 : i32
        %parallel_loop3A_138 = arith.addi %parallel_loop3A_137, %parallel_loop3A_127 : i32
        %parallel_loop3A_139 = arith.constant 0 : i32
        %parallel_loop3A_140 = arith.index_cast %parallel_loop3A_139 : i32 to index
        %parallel_loop3A_141 = arith.index_cast %parallel_loop3A_138 : i32 to index
        %parallel_loop3A_142 = tpu.vector_load %arg6[%parallel_loop3A_140, %parallel_loop3A_141] {strides = array<i32>} : memref<2x2560xi32, #tpu.memory_space<vmem>>, vector<16xi32>,
        %parallel_loop3A_143 = arith.index_cast %parallel_loop3A_127 : i32 to index
        %parallel_loop3A_144 = tpu.vector_load %arg9[%parallel_loop3A_143] {strides = array<i32>} : memref<1280xi32, #tpu.memory_space<vmem>>, vector<16xi32>,
        tpu.vector_store %arg9[%parallel_loop3A_143], %parallel_loop3A_142 {strides = array<i32>} : memref<1280xi32, #tpu.memory_space<vmem>>, vector<16xi32>,
      } {sc.loop_unroll_factor = 8 : i64, sc.parallel_access}
      %add3A_75 = arith.addi %mul3A_2, %mul3A_58 : i32
      %add3A_76 = arith.constant 2 : i32
      %add3A_77 = arith.addi %add3A_75, %add3A_76 : i32
      %min3A = arith.constant 2499 : i32
      %min3A_78 = arith.minsi %add3A_77, %min3A : i32
      %mul3A_79 = arith.constant 2560 : i32
      %mul3A_80 = arith.muli %min3A_78, %mul3A_79 : i32
      %multiple_of3A_81 = tpu.assume_multiple %mul3A_80, 128 : i32
      %dma_start3A_82 = arith.constant 0 : i32
      %dma_start3A_83 = tpu.memref_slice %arg3[%dma_start3A_82, %multiple_of3A_81] : memref<2x6400000xi32, #tpu.memory_space<hbm>> -> memref<2x2560xi32, #tpu.memory_space<hbm>>
      %dma_start3A_84 = arith.constant 0 : i32
      %dma_start3A_85 = tpu.memref_slice %arg3[%dma_start3A_84, %multiple_of3A_81] : memref<2x6400000xi32, #tpu.memory_space<hbm>> -> memref<2x2560xi32, #tpu.memory_space<hbm>>
      tpu.enqueue_dma source(%dma_start3A_85 : memref<2x2560xi32, #tpu.memory_space<hbm>>) target(%arg6 : memref<2x2560xi32, #tpu.memory_space<vmem>>) target_semaphore(%arg18 : memref<!tpu.dma_semaphore, #tpu.memory_space<semaphore_mem>>)
      %dma_start3A_86 = arith.constant 0 : i32
      %dma_start3A_87 = tpu.memref_slice %arg17[%dma_start3A_86] : memref<106496xf32, #tpu.memory_space<vmem_shared>> -> memref<106496xf32, #tpu.memory_space<vmem_shared>>
      tpu.enqueue_indirect_dma source(%arg12 : memref<1280xf32, #tpu.memory_space<vmem>>) target(%dma_start3A_87 : memref<106496xf32, #tpu.memory_space<vmem_shared>>) offsets(%arg8 : memref<1280xi32, #tpu.memory_space<vmem>>) semaphore(%arg20 : memref<!tpu.dma_semaphore, #tpu.memory_space<semaphore_mem>>) {add = true}
      %dma_start3A_88 = arith.constant 0 : i32
      %dma_start3A_89 = tpu.memref_slice %arg17[%dma_start3A_88] : memref<106496xf32, #tpu.memory_space<vmem_shared>> -> memref<106496xf32, #tpu.memory_space<vmem_shared>>
      tpu.enqueue_indirect_dma source(%arg13 : memref<1280xf32, #tpu.memory_space<vmem>>) target(%dma_start3A_89 : memref<106496xf32, #tpu.memory_space<vmem_shared>>) offsets(%arg9 : memref<1280xi32, #tpu.memory_space<vmem>>) semaphore(%arg21 : memref<!tpu.dma_semaphore, #tpu.memory_space<semaphore_mem>>) {add = true}
      %mul3A_90 = arith.constant 2 : i32
      %mul3A_91 = arith.muli %scan3A_56, %mul3A_90 : i32
      %add3A_92 = arith.constant 1 : i32
      %add3A_93 = arith.addi %mul3A_91, %add3A_92 : i32
      %multiple_of3A_94 = arith.constant 0 : i32
      %multiple_of3A_95 = tpu.assume_multiple %multiple_of3A_94, 128 : i32
      %dma_wait3A_96 = arith.constant 0 : i32
      %dma_wait3A_97 = tpu.memref_slice %arg3[%dma_wait3A_96, %multiple_of3A_95] : memref<2x6400000xi32, #tpu.memory_space<hbm>> -> memref<2x2560xi32, #tpu.memory_space<hbm>>
      %dma_wait3A_98 = arith.constant 0 : i32
      %dma_wait3A_99 = tpu.memref_slice %arg3[%dma_wait3A_98, %multiple_of3A_95] : memref<2x6400000xi32, #tpu.memory_space<hbm>> -> memref<2x2560xi32, #tpu.memory_space<hbm>>
      tpu.wait_dma2 semaphore(%arg19 : memref<!tpu.dma_semaphore, #tpu.memory_space<semaphore_mem>>) src(%dma_wait3A_99 : memref<2x2560xi32, #tpu.memory_space<hbm>>) dst(%arg7 : memref<2x2560xi32, #tpu.memory_space<vmem>>)
      %ge3A_100 = arith.constant 2 : i32
      %ge3A_101 = arith.cmpi sge, %add3A_93, %ge3A_100 : i32
      %convert_element_type3A_102 = arith.extui %ge3A_101 : i1 to i32
      %cond3A_103 = arith.constant 0 : i32
      %cond3A_104 = arith.cmpi ne, %convert_element_type3A_102, %cond3A_103 : i32
      scf.if %cond3A_104 {
        %dma_wait3A_127 = arith.constant 0 : i32
        %dma_wait3A_128 = tpu.memref_slice %arg17[%dma_wait3A_127] : memref<106496xf32, #tpu.memory_space<vmem_shared>> -> memref<106496xf32, #tpu.memory_space<vmem_shared>>
        tpu.wait_indirect_dma semaphore(%arg22 : memref<!tpu.dma_semaphore, #tpu.memory_space<semaphore_mem>>) src(%arg14 : memref<1280xf32, #tpu.memory_space<vmem>>) dst(%dma_wait3A_128 : memref<106496xf32, #tpu.memory_space<vmem_shared>>)
        %dma_wait3A_129 = arith.constant 0 : i32
        %dma_wait3A_130 = tpu.memref_slice %arg17[%dma_wait3A_129] : memref<106496xf32, #tpu.memory_space<vmem_shared>> -> memref<106496xf32, #tpu.memory_space<vmem_shared>>
        tpu.wait_indirect_dma semaphore(%arg23 : memref<!tpu.dma_semaphore, #tpu.memory_space<semaphore_mem>>) src(%arg15 : memref<1280xf32, #tpu.memory_space<vmem>>) dst(%dma_wait3A_130 : memref<106496xf32, #tpu.memory_space<vmem_shared>>)
      } else {
      }
      %parallel_loop3A_105 = arith.constant 0 : i32
      %parallel_loop3A_106 = arith.constant 1280 : i32
      %parallel_loop3A_107 = arith.constant 16 : i32
      scf.for %parallel_loop3A_127 = %parallel_loop3A_105 to %parallel_loop3A_106 step %parallel_loop3A_107  : i32 {
        %parallel_loop3A_128 = arith.constant 0 : i32
        %parallel_loop3A_129 = arith.addi %parallel_loop3A_128, %parallel_loop3A_127 : i32
        %parallel_loop3A_130 = arith.constant 1 : i32
        %parallel_loop3A_131 = arith.index_cast %parallel_loop3A_130 : i32 to index
        %parallel_loop3A_132 = arith.index_cast %parallel_loop3A_129 : i32 to index
        %parallel_loop3A_133 = tpu.vector_load %arg7[%parallel_loop3A_131, %parallel_loop3A_132] {strides = array<i32>} : memref<2x2560xi32, #tpu.memory_space<vmem>>, vector<16xi32>,
        %parallel_loop3A_134 = tpu.vector_load_idx %arg5[%parallel_loop3A_133] : memref<100000xf32, #tpu.memory_space<vmem>>[vector<16xi32>], vector<16xf32>,
        %parallel_loop3A_135 = arith.index_cast %parallel_loop3A_127 : i32 to index
        %parallel_loop3A_136 = tpu.vector_load %arg14[%parallel_loop3A_135] {strides = array<i32>} : memref<1280xf32, #tpu.memory_space<vmem>>, vector<16xf32>,
        tpu.vector_store %arg14[%parallel_loop3A_135], %parallel_loop3A_134 {strides = array<i32>} : memref<1280xf32, #tpu.memory_space<vmem>>, vector<16xf32>,
        %parallel_loop3A_137 = arith.constant 0 : i32
        %parallel_loop3A_138 = arith.addi %parallel_loop3A_137, %parallel_loop3A_127 : i32
        %parallel_loop3A_139 = arith.constant 0 : i32
        %parallel_loop3A_140 = arith.index_cast %parallel_loop3A_139 : i32 to index
        %parallel_loop3A_141 = arith.index_cast %parallel_loop3A_138 : i32 to index
        %parallel_loop3A_142 = tpu.vector_load %arg7[%parallel_loop3A_140, %parallel_loop3A_141] {strides = array<i32>} : memref<2x2560xi32, #tpu.memory_space<vmem>>, vector<16xi32>,
        %parallel_loop3A_143 = arith.index_cast %parallel_loop3A_127 : i32 to index
        %parallel_loop3A_144 = tpu.vector_load %arg10[%parallel_loop3A_143] {strides = array<i32>} : memref<1280xi32, #tpu.memory_space<vmem>>, vector<16xi32>,
        tpu.vector_store %arg10[%parallel_loop3A_143], %parallel_loop3A_142 {strides = array<i32>} : memref<1280xi32, #tpu.memory_space<vmem>>, vector<16xi32>,
      } {sc.loop_unroll_factor = 8 : i64, sc.parallel_access}
      %parallel_loop3A_108 = arith.constant 0 : i32
      %parallel_loop3A_109 = arith.constant 1280 : i32
      %parallel_loop3A_110 = arith.constant 16 : i32
      scf.for %parallel_loop3A_127 = %parallel_loop3A_108 to %parallel_loop3A_109 step %parallel_loop3A_110  : i32 {
        %parallel_loop3A_128 = arith.constant 1280 : i32
        %parallel_loop3A_129 = arith.addi %parallel_loop3A_128, %parallel_loop3A_127 : i32
        %parallel_loop3A_130 = arith.constant 1 : i32
        %parallel_loop3A_131 = arith.index_cast %parallel_loop3A_130 : i32 to index
        %parallel_loop3A_132 = arith.index_cast %parallel_loop3A_129 : i32 to index
        %parallel_loop3A_133 = tpu.vector_load %arg7[%parallel_loop3A_131, %parallel_loop3A_132] {strides = array<i32>} : memref<2x2560xi32, #tpu.memory_space<vmem>>, vector<16xi32>,
        %parallel_loop3A_134 = tpu.vector_load_idx %arg5[%parallel_loop3A_133] : memref<100000xf32, #tpu.memory_space<vmem>>[vector<16xi32>], vector<16xf32>,
        %parallel_loop3A_135 = arith.index_cast %parallel_loop3A_127 : i32 to index
        %parallel_loop3A_136 = tpu.vector_load %arg15[%parallel_loop3A_135] {strides = array<i32>} : memref<1280xf32, #tpu.memory_space<vmem>>, vector<16xf32>,
        tpu.vector_store %arg15[%parallel_loop3A_135], %parallel_loop3A_134 {strides = array<i32>} : memref<1280xf32, #tpu.memory_space<vmem>>, vector<16xf32>,
        %parallel_loop3A_137 = arith.constant 1280 : i32
        %parallel_loop3A_138 = arith.addi %parallel_loop3A_137, %parallel_loop3A_127 : i32
        %parallel_loop3A_139 = arith.constant 0 : i32
        %parallel_loop3A_140 = arith.index_cast %parallel_loop3A_139 : i32 to index
        %parallel_loop3A_141 = arith.index_cast %parallel_loop3A_138 : i32 to index
        %parallel_loop3A_142 = tpu.vector_load %arg7[%parallel_loop3A_140, %parallel_loop3A_141] {strides = array<i32>} : memref<2x2560xi32, #tpu.memory_space<vmem>>, vector<16xi32>,
        %parallel_loop3A_143 = arith.index_cast %parallel_loop3A_127 : i32 to index
        %parallel_loop3A_144 = tpu.vector_load %arg11[%parallel_loop3A_143] {strides = array<i32>} : memref<1280xi32, #tpu.memory_space<vmem>>, vector<16xi32>,
        tpu.vector_store %arg11[%parallel_loop3A_143], %parallel_loop3A_142 {strides = array<i32>} : memref<1280xi32, #tpu.memory_space<vmem>>, vector<16xi32>,
      } {sc.loop_unroll_factor = 8 : i64, sc.parallel_access}
      %add3A_111 = arith.addi %mul3A_2, %add3A_93 : i32
      %add3A_112 = arith.constant 2 : i32
      %add3A_113 = arith.addi %add3A_111, %add3A_112 : i32
      %min3A_114 = arith.constant 2499 : i32
      %min3A_115 = arith.minsi %add3A_113, %min3A_114 : i32
      %mul3A_116 = arith.constant 2560 : i32
      %mul3A_117 = arith.muli %min3A_115, %mul3A_116 : i32
      %multiple_of3A_118 = tpu.assume_multiple %mul3A_117, 128 : i32
      %dma_start3A_119 = arith.constant 0 : i32
      %dma_start3A_120 = tpu.memref_slice %arg3[%dma_start3A_119, %multiple_of3A_118] : memref<2x6400000xi32, #tpu.memory_space<hbm>> -> memref<2x2560xi32, #tpu.memory_space<hbm>>
      %dma_start3A_121 = arith.constant 0 : i32
      %dma_start3A_122 = tpu.memref_slice %arg3[%dma_start3A_121, %multiple_of3A_118] : memref<2x6400000xi32, #tpu.memory_space<hbm>> -> memref<2x2560xi32, #tpu.memory_space<hbm>>
      tpu.enqueue_dma source(%dma_start3A_122 : memref<2x2560xi32, #tpu.memory_space<hbm>>) target(%arg7 : memref<2x2560xi32, #tpu.memory_space<vmem>>) target_semaphore(%arg19 : memref<!tpu.dma_semaphore, #tpu.memory_space<semaphore_mem>>)
      %dma_start3A_123 = arith.constant 0 : i32
      %dma_start3A_124 = tpu.memref_slice %arg17[%dma_start3A_123] : memref<106496xf32, #tpu.memory_space<vmem_shared>> -> memref<106496xf32, #tpu.memory_space<vmem_shared>>
      tpu.enqueue_indirect_dma source(%arg14 : memref<1280xf32, #tpu.memory_space<vmem>>) target(%dma_start3A_124 : memref<106496xf32, #tpu.memory_space<vmem_shared>>) offsets(%arg10 : memref<1280xi32, #tpu.memory_space<vmem>>) semaphore(%arg22 : memref<!tpu.dma_semaphore, #tpu.memory_space<semaphore_mem>>) {add = true}
      %dma_start3A_125 = arith.constant 0 : i32
      %dma_start3A_126 = tpu.memref_slice %arg17[%dma_start3A_125] : memref<106496xf32, #tpu.memory_space<vmem_shared>> -> memref<106496xf32, #tpu.memory_space<vmem_shared>>
      tpu.enqueue_indirect_dma source(%arg15 : memref<1280xf32, #tpu.memory_space<vmem>>) target(%dma_start3A_126 : memref<106496xf32, #tpu.memory_space<vmem_shared>>) offsets(%arg11 : memref<1280xi32, #tpu.memory_space<vmem>>) semaphore(%arg23 : memref<!tpu.dma_semaphore, #tpu.memory_space<semaphore_mem>>) {add = true}
    }
    %scan3A_29 = arith.constant 39 : i32
    %dma_wait3A = arith.constant 0 : i32
    %dma_wait3A_30 = tpu.memref_slice %arg17[%dma_wait3A] : memref<106496xf32, #tpu.memory_space<vmem_shared>> -> memref<106496xf32, #tpu.memory_space<vmem_shared>>
    tpu.wait_indirect_dma semaphore(%arg20 : memref<!tpu.dma_semaphore, #tpu.memory_space<semaphore_mem>>) src(%arg12 : memref<1280xf32, #tpu.memory_space<vmem>>) dst(%dma_wait3A_30 : memref<106496xf32, #tpu.memory_space<vmem_shared>>)
    %dma_wait3A_31 = arith.constant 0 : i32
    %dma_wait3A_32 = tpu.memref_slice %arg17[%dma_wait3A_31] : memref<106496xf32, #tpu.memory_space<vmem_shared>> -> memref<106496xf32, #tpu.memory_space<vmem_shared>>
    tpu.wait_indirect_dma semaphore(%arg21 : memref<!tpu.dma_semaphore, #tpu.memory_space<semaphore_mem>>) src(%arg13 : memref<1280xf32, #tpu.memory_space<vmem>>) dst(%dma_wait3A_32 : memref<106496xf32, #tpu.memory_space<vmem_shared>>)
    %dma_wait3A_33 = arith.constant 0 : i32
    %dma_wait3A_34 = tpu.memref_slice %arg17[%dma_wait3A_33] : memref<106496xf32, #tpu.memory_space<vmem_shared>> -> memref<106496xf32, #tpu.memory_space<vmem_shared>>
    tpu.wait_indirect_dma semaphore(%arg22 : memref<!tpu.dma_semaphore, #tpu.memory_space<semaphore_mem>>) src(%arg14 : memref<1280xf32, #tpu.memory_space<vmem>>) dst(%dma_wait3A_34 : memref<106496xf32, #tpu.memory_space<vmem_shared>>)
    %dma_wait3A_35 = arith.constant 0 : i32
    %dma_wait3A_36 = tpu.memref_slice %arg17[%dma_wait3A_35] : memref<106496xf32, #tpu.memory_space<vmem_shared>> -> memref<106496xf32, #tpu.memory_space<vmem_shared>>
    tpu.wait_indirect_dma semaphore(%arg23 : memref<!tpu.dma_semaphore, #tpu.memory_space<semaphore_mem>>) src(%arg15 : memref<1280xf32, #tpu.memory_space<vmem>>) dst(%dma_wait3A_36 : memref<106496xf32, #tpu.memory_space<vmem_shared>>)
    %multiple_of3A_37 = arith.constant 0 : i32
    %multiple_of3A_38 = tpu.assume_multiple %multiple_of3A_37, 128 : i32
    %dma_wait3A_39 = arith.constant 0 : i32
    %dma_wait3A_40 = tpu.memref_slice %arg3[%dma_wait3A_39, %multiple_of3A_38] : memref<2x6400000xi32, #tpu.memory_space<hbm>> -> memref<2x2560xi32, #tpu.memory_space<hbm>>
    %dma_wait3A_41 = arith.constant 0 : i32
    %dma_wait3A_42 = tpu.memref_slice %arg3[%dma_wait3A_41, %multiple_of3A_38] : memref<2x6400000xi32, #tpu.memory_space<hbm>> -> memref<2x2560xi32, #tpu.memory_space<hbm>>
    tpu.wait_dma2 semaphore(%arg18 : memref<!tpu.dma_semaphore, #tpu.memory_space<semaphore_mem>>) src(%dma_wait3A_42 : memref<2x2560xi32, #tpu.memory_space<hbm>>) dst(%arg6 : memref<2x2560xi32, #tpu.memory_space<vmem>>)
    %multiple_of3A_43 = arith.constant 0 : i32
    %multiple_of3A_44 = tpu.assume_multiple %multiple_of3A_43, 128 : i32
    %dma_wait3A_45 = arith.constant 0 : i32
    %dma_wait3A_46 = tpu.memref_slice %arg3[%dma_wait3A_45, %multiple_of3A_44] : memref<2x6400000xi32, #tpu.memory_space<hbm>> -> memref<2x2560xi32, #tpu.memory_space<hbm>>
    %dma_wait3A_47 = arith.constant 0 : i32
    %dma_wait3A_48 = tpu.memref_slice %arg3[%dma_wait3A_47, %multiple_of3A_44] : memref<2x6400000xi32, #tpu.memory_space<hbm>> -> memref<2x2560xi32, #tpu.memory_space<hbm>>
    tpu.wait_dma2 semaphore(%arg19 : memref<!tpu.dma_semaphore, #tpu.memory_space<semaphore_mem>>) src(%dma_wait3A_48 : memref<2x2560xi32, #tpu.memory_space<hbm>>) dst(%arg7 : memref<2x2560xi32, #tpu.memory_space<vmem>>)
    %lt3A = arith.constant 4 : i32
    %lt3A_49 = arith.cmpi slt, %add3A, %lt3A : i32
    %convert_element_type3A = arith.extui %lt3A_49 : i1 to i32
    %cond3A = arith.constant 0 : i32
    %cond3A_50 = arith.cmpi ne, %convert_element_type3A, %cond3A : i32
    scf.if %cond3A_50 {
      %add3A_56 = arith.constant 2496 : i32
      %add3A_57 = arith.addi %add3A_56, %add3A : i32
      %mul3A_58 = arith.constant 2560 : i32
      %mul3A_59 = arith.muli %add3A_57, %mul3A_58 : i32
      %multiple_of3A_60 = tpu.assume_multiple %mul3A_59, 128 : i32
      "tpu.region"() ({
        %run_scoped3A = tpu.sem_alloc : memref<!tpu.dma_semaphore, #tpu.memory_space<semaphore_mem>>
        %dma_start3A_67 = arith.constant 0 : i32
        %dma_start3A_68 = tpu.memref_slice %arg3[%dma_start3A_67, %multiple_of3A_60] : memref<2x6400000xi32, #tpu.memory_space<hbm>> -> memref<2x2560xi32, #tpu.memory_space<hbm>>
        %dma_start3A_69 = arith.constant 0 : i32
        %dma_start3A_70 = tpu.memref_slice %arg3[%dma_start3A_69, %multiple_of3A_60] : memref<2x6400000xi32, #tpu.memory_space<hbm>> -> memref<2x2560xi32, #tpu.memory_space<hbm>>
        tpu.enqueue_dma source(%dma_start3A_70 : memref<2x2560xi32, #tpu.memory_space<hbm>>) target(%arg6 : memref<2x2560xi32, #tpu.memory_space<vmem>>) target_semaphore(%run_scoped3A : memref<!tpu.dma_semaphore, #tpu.memory_space<semaphore_mem>>)
        %dma_wait3A_71 = arith.constant 0 : i32
        %dma_wait3A_72 = tpu.memref_slice %arg3[%dma_wait3A_71, %multiple_of3A_60] : memref<2x6400000xi32, #tpu.memory_space<hbm>> -> memref<2x2560xi32, #tpu.memory_space<hbm>>
        %dma_wait3A_73 = arith.constant 0 : i32
        %dma_wait3A_74 = tpu.memref_slice %arg3[%dma_wait3A_73, %multiple_of3A_60] : memref<2x6400000xi32, #tpu.memory_space<hbm>> -> memref<2x2560xi32, #tpu.memory_space<hbm>>
        tpu.wait_dma2 semaphore(%run_scoped3A : memref<!tpu.dma_semaphore, #tpu.memory_space<semaphore_mem>>) src(%dma_wait3A_74 : memref<2x2560xi32, #tpu.memory_space<hbm>>) dst(%arg6 : memref<2x2560xi32, #tpu.memory_space<vmem>>)
        tpu.yield
      }) : () -> ()
      %parallel_loop3A_61 = arith.constant 0 : i32
      %parallel_loop3A_62 = arith.constant 1280 : i32
      %parallel_loop3A_63 = arith.constant 16 : i32
      scf.for %parallel_loop3A_67 = %parallel_loop3A_61 to %parallel_loop3A_62 step %parallel_loop3A_63  : i32 {
        %parallel_loop3A_68 = arith.constant 0 : i32
        %parallel_loop3A_69 = arith.addi %parallel_loop3A_68, %parallel_loop3A_67 : i32
        %parallel_loop3A_70 = arith.constant 1 : i32
        %parallel_loop3A_71 = arith.index_cast %parallel_loop3A_70 : i32 to index
        %parallel_loop3A_72 = arith.index_cast %parallel_loop3A_69 : i32 to index
        %parallel_loop3A_73 = tpu.vector_load %arg6[%parallel_loop3A_71, %parallel_loop3A_72] {strides = array<i32>} : memref<2x2560xi32, #tpu.memory_space<vmem>>, vector<16xi32>,
        %parallel_loop3A_74 = tpu.vector_load_idx %arg5[%parallel_loop3A_73] : memref<100000xf32, #tpu.memory_space<vmem>>[vector<16xi32>], vector<16xf32>,
        %parallel_loop3A_75 = arith.index_cast %parallel_loop3A_67 : i32 to index
        %parallel_loop3A_76 = tpu.vector_load %arg12[%parallel_loop3A_75] {strides = array<i32>} : memref<1280xf32, #tpu.memory_space<vmem>>, vector<16xf32>,
        tpu.vector_store %arg12[%parallel_loop3A_75], %parallel_loop3A_74 {strides = array<i32>} : memref<1280xf32, #tpu.memory_space<vmem>>, vector<16xf32>,
        %parallel_loop3A_77 = arith.constant 0 : i32
        %parallel_loop3A_78 = arith.addi %parallel_loop3A_77, %parallel_loop3A_67 : i32
        %parallel_loop3A_79 = arith.constant 0 : i32
        %parallel_loop3A_80 = arith.index_cast %parallel_loop3A_79 : i32 to index
        %parallel_loop3A_81 = arith.index_cast %parallel_loop3A_78 : i32 to index
        %parallel_loop3A_82 = tpu.vector_load %arg6[%parallel_loop3A_80, %parallel_loop3A_81] {strides = array<i32>} : memref<2x2560xi32, #tpu.memory_space<vmem>>, vector<16xi32>,
        %parallel_loop3A_83 = arith.index_cast %parallel_loop3A_67 : i32 to index
        %parallel_loop3A_84 = tpu.vector_load %arg8[%parallel_loop3A_83] {strides = array<i32>} : memref<1280xi32, #tpu.memory_space<vmem>>, vector<16xi32>,
        tpu.vector_store %arg8[%parallel_loop3A_83], %parallel_loop3A_82 {strides = array<i32>} : memref<1280xi32, #tpu.memory_space<vmem>>, vector<16xi32>,
      } {sc.loop_unroll_factor = 8 : i64, sc.parallel_access}
      %parallel_loop3A_64 = arith.constant 0 : i32
      %parallel_loop3A_65 = arith.constant 1280 : i32
      %parallel_loop3A_66 = arith.constant 16 : i32
      scf.for %parallel_loop3A_67 = %parallel_loop3A_64 to %parallel_loop3A_65 step %parallel_loop3A_66  : i32 {
        %parallel_loop3A_68 = arith.constant 1280 : i32
        %parallel_loop3A_69 = arith.addi %parallel_loop3A_68, %parallel_loop3A_67 : i32
        %parallel_loop3A_70 = arith.constant 1 : i32
        %parallel_loop3A_71 = arith.index_cast %parallel_loop3A_70 : i32 to index
        %parallel_loop3A_72 = arith.index_cast %parallel_loop3A_69 : i32 to index
        %parallel_loop3A_73 = tpu.vector_load %arg6[%parallel_loop3A_71, %parallel_loop3A_72] {strides = array<i32>} : memref<2x2560xi32, #tpu.memory_space<vmem>>, vector<16xi32>,
        %parallel_loop3A_74 = tpu.vector_load_idx %arg5[%parallel_loop3A_73] : memref<100000xf32, #tpu.memory_space<vmem>>[vector<16xi32>], vector<16xf32>,
        %parallel_loop3A_75 = arith.index_cast %parallel_loop3A_67 : i32 to index
        %parallel_loop3A_76 = tpu.vector_load %arg13[%parallel_loop3A_75] {strides = array<i32>} : memref<1280xf32, #tpu.memory_space<vmem>>, vector<16xf32>,
        tpu.vector_store %arg13[%parallel_loop3A_75], %parallel_loop3A_74 {strides = array<i32>} : memref<1280xf32, #tpu.memory_space<vmem>>, vector<16xf32>,
        %parallel_loop3A_77 = arith.constant 1280 : i32
        %parallel_loop3A_78 = arith.addi %parallel_loop3A_77, %parallel_loop3A_67 : i32
        %parallel_loop3A_79 = arith.constant 0 : i32
        %parallel_loop3A_80 = arith.index_cast %parallel_loop3A_79 : i32 to index
        %parallel_loop3A_81 = arith.index_cast %parallel_loop3A_78 : i32 to index
        %parallel_loop3A_82 = tpu.vector_load %arg6[%parallel_loop3A_80, %parallel_loop3A_81] {strides = array<i32>} : memref<2x2560xi32, #tpu.memory_space<vmem>>, vector<16xi32>,
        %parallel_loop3A_83 = arith.index_cast %parallel_loop3A_67 : i32 to index
        %parallel_loop3A_84 = tpu.vector_load %arg9[%parallel_loop3A_83] {strides = array<i32>} : memref<1280xi32, #tpu.memory_space<vmem>>, vector<16xi32>,
        tpu.vector_store %arg9[%parallel_loop3A_83], %parallel_loop3A_82 {strides = array<i32>} : memref<1280xi32, #tpu.memory_space<vmem>>, vector<16xi32>,
      } {sc.loop_unroll_factor = 8 : i64, sc.parallel_access}
      "tpu.region"() ({
        %run_scoped3A = tpu.sem_alloc : memref<!tpu.dma_semaphore, #tpu.memory_space<semaphore_mem>>
        %dma_start3A_67 = arith.constant 0 : i32
        %dma_start3A_68 = tpu.memref_slice %arg17[%dma_start3A_67] : memref<106496xf32, #tpu.memory_space<vmem_shared>> -> memref<106496xf32, #tpu.memory_space<vmem_shared>>
        tpu.enqueue_indirect_dma source(%arg12 : memref<1280xf32, #tpu.memory_space<vmem>>) target(%dma_start3A_68 : memref<106496xf32, #tpu.memory_space<vmem_shared>>) offsets(%arg8 : memref<1280xi32, #tpu.memory_space<vmem>>) semaphore(%run_scoped3A : memref<!tpu.dma_semaphore, #tpu.memory_space<semaphore_mem>>) {add = true}
        %dma_wait3A_69 = arith.constant 0 : i32
        %dma_wait3A_70 = tpu.memref_slice %arg17[%dma_wait3A_69] : memref<106496xf32, #tpu.memory_space<vmem_shared>> -> memref<106496xf32, #tpu.memory_space<vmem_shared>>
        tpu.wait_indirect_dma semaphore(%run_scoped3A : memref<!tpu.dma_semaphore, #tpu.memory_space<semaphore_mem>>) src(%arg12 : memref<1280xf32, #tpu.memory_space<vmem>>) dst(%dma_wait3A_70 : memref<106496xf32, #tpu.memory_space<vmem_shared>>)
        tpu.yield
      }) : () -> ()
      "tpu.region"() ({
        %run_scoped3A = tpu.sem_alloc : memref<!tpu.dma_semaphore, #tpu.memory_space<semaphore_mem>>
        %dma_start3A_67 = arith.constant 0 : i32
        %dma_start3A_68 = tpu.memref_slice %arg17[%dma_start3A_67] : memref<106496xf32, #tpu.memory_space<vmem_shared>> -> memref<106496xf32, #tpu.memory_space<vmem_shared>>
        tpu.enqueue_indirect_dma source(%arg13 : memref<1280xf32, #tpu.memory_space<vmem>>) target(%dma_start3A_68 : memref<106496xf32, #tpu.memory_space<vmem_shared>>) offsets(%arg9 : memref<1280xi32, #tpu.memory_space<vmem>>) semaphore(%run_scoped3A : memref<!tpu.dma_semaphore, #tpu.memory_space<semaphore_mem>>) {add = true}
        %dma_wait3A_69 = arith.constant 0 : i32
        %dma_wait3A_70 = tpu.memref_slice %arg17[%dma_wait3A_69] : memref<106496xf32, #tpu.memory_space<vmem_shared>> -> memref<106496xf32, #tpu.memory_space<vmem_shared>>
        tpu.wait_indirect_dma semaphore(%run_scoped3A : memref<!tpu.dma_semaphore, #tpu.memory_space<semaphore_mem>>) src(%arg13 : memref<1280xf32, #tpu.memory_space<vmem>>) dst(%dma_wait3A_70 : memref<106496xf32, #tpu.memory_space<vmem_shared>>)
        tpu.yield
      }) : () -> ()
    } else {
    }
    %barrier3A_51 = arith.constant 0 : index
    tpu.barrier barrier_id(%barrier3A_51)
    %mul3A_52 = arith.constant 6656 : i32
    %mul3A_53 = arith.muli %arg1, %mul3A_52 : i32
    %mul3A_54 = arith.constant 6656 : i32
    %mul3A_55 = arith.muli %arg1, %mul3A_54 : i32
    "tpu.region"() ({
      %run_scoped3A = tpu.sem_alloc : memref<!tpu.dma_semaphore, #tpu.memory_space<semaphore_mem>>
      %dma_start3A_56 = tpu.memref_slice %arg4[%arg0, %mul3A_55] : memref<2x106496xf32, #tpu.memory_space<hbm>> -> memref<1x6656xf32, #tpu.memory_space<hbm>>
      %dma_start3A_57 = tpu.memref_squeeze %dma_start3A_56 : memref<1x6656xf32, #tpu.memory_space<hbm>> -> memref<6656xf32, #tpu.memory_space<hbm>>
      %dma_start3A_58 = tpu.memref_slice %arg17[%mul3A_53] : memref<106496xf32, #tpu.memory_space<vmem_shared>> -> memref<6656xf32, #tpu.memory_space<vmem_shared>>
      tpu.enqueue_dma source(%dma_start3A_58 : memref<6656xf32, #tpu.memory_space<vmem_shared>>) target(%dma_start3A_57 : memref<6656xf32, #tpu.memory_space<hbm>>) target_semaphore(%run_scoped3A : memref<!tpu.dma_semaphore, #tpu.memory_space<semaphore_mem>>)
      %dma_wait3A_59 = tpu.memref_slice %arg4[%arg0, %mul3A_55] : memref<2x106496xf32, #tpu.memory_space<hbm>> -> memref<1x6656xf32, #tpu.memory_space<hbm>>
      %dma_wait3A_60 = tpu.memref_squeeze %dma_wait3A_59 : memref<1x6656xf32, #tpu.memory_space<hbm>> -> memref<6656xf32, #tpu.memory_space<hbm>>
      %dma_wait3A_61 = tpu.memref_slice %arg17[%mul3A_53] : memref<106496xf32, #tpu.memory_space<vmem_shared>> -> memref<6656xf32, #tpu.memory_space<vmem_shared>>
      tpu.wait_dma2 semaphore(%run_scoped3A : memref<!tpu.dma_semaphore, #tpu.memory_space<semaphore_mem>>) src(%dma_wait3A_61 : memref<6656xf32, #tpu.memory_space<vmem_shared>>) dst(%dma_wait3A_60 : memref<6656xf32, #tpu.memory_space<hbm>>)
      tpu.yield
    }) : () -> ()
    return
  }
}

module attributes {stable_mosaic.version = 14 : i64} {
  func.func @_mlp_body(%arg0: i32, %arg1: memref<8192x128xf32, #tpu.memory_space<vmem>>, %arg2: memref<128x128xf32, #tpu.memory_space<vmem>>, %arg3: memref<1x128xf32, #tpu.memory_space<vmem>>, %arg4: memref<128x128xf32, #tpu.memory_space<vmem>>, %arg5: memref<128x128xf32, #tpu.memory_space<vmem>>, %arg6: memref<1x128xf32, #tpu.memory_space<vmem>>, %arg7: memref<1xf32, #tpu.memory_space<smem>>, %arg8: memref<32x256xf32, #tpu.memory_space<vmem>>, %arg9: memref<32x256xf32, #tpu.memory_space<vmem>>) attributes {dimension_semantics = [#tpu.dimension_semantics<arbitrary>], iteration_bounds = array<i64: 13>, scalar_prefetch = 0 : i64, scratch_operands = 0 : i64, tpu.core_type = #tpu.core_type<tc>, window_params = [{transform_indices = @transform_0, window_bounds = array<i64: 8192, 128>}, {pipeline_mode = #tpu.pipeline_mode<synchronous>, transform_indices = @transform_1, window_bounds = array<i64: 128, 128>}, {pipeline_mode = #tpu.pipeline_mode<synchronous>, transform_indices = @transform_2, window_bounds = array<i64: 1, 128>}, {pipeline_mode = #tpu.pipeline_mode<synchronous>, transform_indices = @transform_3, window_bounds = array<i64: 128, 128>}, {pipeline_mode = #tpu.pipeline_mode<synchronous>, transform_indices = @transform_4, window_bounds = array<i64: 128, 128>}, {pipeline_mode = #tpu.pipeline_mode<synchronous>, transform_indices = @transform_5, window_bounds = array<i64: 1, 128>}, {transform_indices = @transform_6, window_bounds = array<i64: 1>}, {transform_indices = @transform_7, window_bounds = array<i64: 32, 256>}, {transform_indices = @transform_8, window_bounds = array<i64: 32, 256>}]} {
    %get3A = arith.constant 0 : index
    %get3A_0 = arith.constant 0 : index
    %get3A_1 = vector.load %arg1[%get3A, %get3A_0] : memref<8192x128xf32, #tpu.memory_space<vmem>>, vector<8192x128xf32>
    %get3A_2 = arith.constant 0 : index
    %get3A_3 = arith.constant 0 : index
    %get3A_4 = vector.load %arg2[%get3A_2, %get3A_3] : memref<128x128xf32, #tpu.memory_space<vmem>>, vector<128x128xf32>
    %dot_general3A = arith.constant dense<0.000000e+00> : vector<8192x128xf32>
    %dot_general3A_5 = tpu.matmul %get3A_1, %get3A_4, %dot_general3A {dimension_numbers = #tpu.dot_dimension_numbers<[1], [1], [0], [0], [0, 0, 1, 0], [], []>, transpose_lhs_hint = false} : vector<8192x128xf32>, vector<128x128xf32>, vector<8192x128xf32> -> vector<8192x128xf32>
    %get3A_6 = arith.constant 0 : index
    %get3A_7 = arith.constant 0 : index
    %get3A_8 = vector.load %arg3[%get3A_6, %get3A_7] : memref<1x128xf32, #tpu.memory_space<vmem>>, vector<1x128xf32>
    %add3A = vector.broadcast %get3A_8 : vector<1x128xf32> to vector<8192x128xf32>
    %add3A_9 = arith.addf %dot_general3A_5, %add3A : vector<8192x128xf32>
    %max3A = arith.constant 0.000000e+00 : f32
    %max3A_10 = vector.broadcast %max3A : f32 to vector<8192x128xf32>
    %max3A_11 = arith.maximumf %add3A_9, %max3A_10 : vector<8192x128xf32>
    %get3A_12 = arith.constant 0 : index
    %get3A_13 = arith.constant 0 : index
    %get3A_14 = vector.load %arg4[%get3A_12, %get3A_13] : memref<128x128xf32, #tpu.memory_space<vmem>>, vector<128x128xf32>
    %dot_general3A_15 = arith.constant dense<0.000000e+00> : vector<8192x128xf32>
    %dot_general3A_16 = tpu.matmul %max3A_11, %get3A_14, %dot_general3A_15 {dimension_numbers = #tpu.dot_dimension_numbers<[1], [1], [0], [0], [0, 0, 1, 0], [], []>, transpose_lhs_hint = false} : vector<8192x128xf32>, vector<128x128xf32>, vector<8192x128xf32> -> vector<8192x128xf32>
    %max3A_17 = arith.constant 0.000000e+00 : f32
    %max3A_18 = vector.broadcast %max3A_17 : f32 to vector<8192x128xf32>
    %max3A_19 = arith.maximumf %dot_general3A_16, %max3A_18 : vector<8192x128xf32>
    %get3A_20 = arith.constant 0 : index
    %get3A_21 = arith.constant 0 : index
    %get3A_22 = vector.load %arg5[%get3A_20, %get3A_21] : memref<128x128xf32, #tpu.memory_space<vmem>>, vector<128x128xf32>
    %dot_general3A_23 = arith.constant dense<0.000000e+00> : vector<8192x128xf32>
    %dot_general3A_24 = tpu.matmul %max3A_19, %get3A_22, %dot_general3A_23 {dimension_numbers = #tpu.dot_dimension_numbers<[1], [1], [0], [0], [0, 0, 1, 0], [], []>, transpose_lhs_hint = false} : vector<8192x128xf32>, vector<128x128xf32>, vector<8192x128xf32> -> vector<8192x128xf32>
    %max3A_25 = arith.constant 0.000000e+00 : f32
    %max3A_26 = vector.broadcast %max3A_25 : f32 to vector<8192x128xf32>
    %max3A_27 = arith.maximumf %dot_general3A_24, %max3A_26 : vector<8192x128xf32>
    %get3A_28 = arith.constant 0 : index
    %get3A_29 = arith.constant 0 : index
    %get3A_30 = vector.load %arg6[%get3A_28, %get3A_29] : memref<1x128xf32, #tpu.memory_space<vmem>>, vector<1x128xf32>
    %dot_general3A_31 = arith.constant dense<0.000000e+00> : vector<1x8192xf32>
    %dot_general3A_32 = tpu.matmul %get3A_30, %max3A_27, %dot_general3A_31 {dimension_numbers = #tpu.dot_dimension_numbers<[1], [1], [0], [0], [0, 0, 1, 0], [], []>, transpose_lhs_hint = false} : vector<1x128xf32>, vector<8192x128xf32>, vector<1x8192xf32> -> vector<1x8192xf32>
    %get3A_33 = arith.constant 0 : index
    %get3A_34 = memref.load %arg7[%get3A_33] : memref<1xf32, #tpu.memory_space<smem>>
    %add3A_35 = vector.broadcast %get3A_34 : f32 to vector<1x8192xf32>
    %add3A_36 = arith.addf %dot_general3A_32, %add3A_35 : vector<1x8192xf32>
    %split3A = vector.extract_strided_slice %add3A_36 {offsets = [0, 0], sizes = [1, 256], strides = [1, 1]} : vector<1x8192xf32> to vector<1x256xf32>
    %split3A_37 = vector.extract_strided_slice %add3A_36 {offsets = [0, 256], sizes = [1, 256], strides = [1, 1]} : vector<1x8192xf32> to vector<1x256xf32>
    %split3A_38 = vector.extract_strided_slice %add3A_36 {offsets = [0, 512], sizes = [1, 256], strides = [1, 1]} : vector<1x8192xf32> to vector<1x256xf32>
    %split3A_39 = vector.extract_strided_slice %add3A_36 {offsets = [0, 768], sizes = [1, 256], strides = [1, 1]} : vector<1x8192xf32> to vector<1x256xf32>
    %split3A_40 = vector.extract_strided_slice %add3A_36 {offsets = [0, 1024], sizes = [1, 256], strides = [1, 1]} : vector<1x8192xf32> to vector<1x256xf32>
    %split3A_41 = vector.extract_strided_slice %add3A_36 {offsets = [0, 1280], sizes = [1, 256], strides = [1, 1]} : vector<1x8192xf32> to vector<1x256xf32>
    %split3A_42 = vector.extract_strided_slice %add3A_36 {offsets = [0, 1536], sizes = [1, 256], strides = [1, 1]} : vector<1x8192xf32> to vector<1x256xf32>
    %split3A_43 = vector.extract_strided_slice %add3A_36 {offsets = [0, 1792], sizes = [1, 256], strides = [1, 1]} : vector<1x8192xf32> to vector<1x256xf32>
    %split3A_44 = vector.extract_strided_slice %add3A_36 {offsets = [0, 2048], sizes = [1, 256], strides = [1, 1]} : vector<1x8192xf32> to vector<1x256xf32>
    %split3A_45 = vector.extract_strided_slice %add3A_36 {offsets = [0, 2304], sizes = [1, 256], strides = [1, 1]} : vector<1x8192xf32> to vector<1x256xf32>
    %split3A_46 = vector.extract_strided_slice %add3A_36 {offsets = [0, 2560], sizes = [1, 256], strides = [1, 1]} : vector<1x8192xf32> to vector<1x256xf32>
    %split3A_47 = vector.extract_strided_slice %add3A_36 {offsets = [0, 2816], sizes = [1, 256], strides = [1, 1]} : vector<1x8192xf32> to vector<1x256xf32>
    %split3A_48 = vector.extract_strided_slice %add3A_36 {offsets = [0, 3072], sizes = [1, 256], strides = [1, 1]} : vector<1x8192xf32> to vector<1x256xf32>
    %split3A_49 = vector.extract_strided_slice %add3A_36 {offsets = [0, 3328], sizes = [1, 256], strides = [1, 1]} : vector<1x8192xf32> to vector<1x256xf32>
    %split3A_50 = vector.extract_strided_slice %add3A_36 {offsets = [0, 3584], sizes = [1, 256], strides = [1, 1]} : vector<1x8192xf32> to vector<1x256xf32>
    %split3A_51 = vector.extract_strided_slice %add3A_36 {offsets = [0, 3840], sizes = [1, 256], strides = [1, 1]} : vector<1x8192xf32> to vector<1x256xf32>
    %split3A_52 = vector.extract_strided_slice %add3A_36 {offsets = [0, 4096], sizes = [1, 256], strides = [1, 1]} : vector<1x8192xf32> to vector<1x256xf32>
    %split3A_53 = vector.extract_strided_slice %add3A_36 {offsets = [0, 4352], sizes = [1, 256], strides = [1, 1]} : vector<1x8192xf32> to vector<1x256xf32>
    %split3A_54 = vector.extract_strided_slice %add3A_36 {offsets = [0, 4608], sizes = [1, 256], strides = [1, 1]} : vector<1x8192xf32> to vector<1x256xf32>
    %split3A_55 = vector.extract_strided_slice %add3A_36 {offsets = [0, 4864], sizes = [1, 256], strides = [1, 1]} : vector<1x8192xf32> to vector<1x256xf32>
    %split3A_56 = vector.extract_strided_slice %add3A_36 {offsets = [0, 5120], sizes = [1, 256], strides = [1, 1]} : vector<1x8192xf32> to vector<1x256xf32>
    %split3A_57 = vector.extract_strided_slice %add3A_36 {offsets = [0, 5376], sizes = [1, 256], strides = [1, 1]} : vector<1x8192xf32> to vector<1x256xf32>
    %split3A_58 = vector.extract_strided_slice %add3A_36 {offsets = [0, 5632], sizes = [1, 256], strides = [1, 1]} : vector<1x8192xf32> to vector<1x256xf32>
    %split3A_59 = vector.extract_strided_slice %add3A_36 {offsets = [0, 5888], sizes = [1, 256], strides = [1, 1]} : vector<1x8192xf32> to vector<1x256xf32>
    %split3A_60 = vector.extract_strided_slice %add3A_36 {offsets = [0, 6144], sizes = [1, 256], strides = [1, 1]} : vector<1x8192xf32> to vector<1x256xf32>
    %split3A_61 = vector.extract_strided_slice %add3A_36 {offsets = [0, 6400], sizes = [1, 256], strides = [1, 1]} : vector<1x8192xf32> to vector<1x256xf32>
    %split3A_62 = vector.extract_strided_slice %add3A_36 {offsets = [0, 6656], sizes = [1, 256], strides = [1, 1]} : vector<1x8192xf32> to vector<1x256xf32>
    %split3A_63 = vector.extract_strided_slice %add3A_36 {offsets = [0, 6912], sizes = [1, 256], strides = [1, 1]} : vector<1x8192xf32> to vector<1x256xf32>
    %split3A_64 = vector.extract_strided_slice %add3A_36 {offsets = [0, 7168], sizes = [1, 256], strides = [1, 1]} : vector<1x8192xf32> to vector<1x256xf32>
    %split3A_65 = vector.extract_strided_slice %add3A_36 {offsets = [0, 7424], sizes = [1, 256], strides = [1, 1]} : vector<1x8192xf32> to vector<1x256xf32>
    %split3A_66 = vector.extract_strided_slice %add3A_36 {offsets = [0, 7680], sizes = [1, 256], strides = [1, 1]} : vector<1x8192xf32> to vector<1x256xf32>
    %split3A_67 = vector.extract_strided_slice %add3A_36 {offsets = [0, 7936], sizes = [1, 256], strides = [1, 1]} : vector<1x8192xf32> to vector<1x256xf32>
    %concatenate3A = tpu.concatenate %split3A, %split3A_37, %split3A_38, %split3A_39, %split3A_40, %split3A_41, %split3A_42, %split3A_43, %split3A_44, %split3A_45, %split3A_46, %split3A_47, %split3A_48, %split3A_49, %split3A_50, %split3A_51, %split3A_52, %split3A_53, %split3A_54, %split3A_55, %split3A_56, %split3A_57, %split3A_58, %split3A_59, %split3A_60, %split3A_61, %split3A_62, %split3A_63, %split3A_64, %split3A_65, %split3A_66, %split3A_67 in 0 : vector<1x256xf32>, vector<1x256xf32>, vector<1x256xf32>, vector<1x256xf32>, vector<1x256xf32>, vector<1x256xf32>, vector<1x256xf32>, vector<1x256xf32>, vector<1x256xf32>, vector<1x256xf32>, vector<1x256xf32>, vector<1x256xf32>, vector<1x256xf32>, vector<1x256xf32>, vector<1x256xf32>, vector<1x256xf32>, vector<1x256xf32>, vector<1x256xf32>, vector<1x256xf32>, vector<1x256xf32>, vector<1x256xf32>, vector<1x256xf32>, vector<1x256xf32>, vector<1x256xf32>, vector<1x256xf32>, vector<1x256xf32>, vector<1x256xf32>, vector<1x256xf32>, vector<1x256xf32>, vector<1x256xf32>, vector<1x256xf32>, vector<1x256xf32> -> vector<32x256xf32>
    %swap3A = arith.constant 0 : index
    %swap3A_68 = arith.constant 0 : index
    %swap3A_69 = vector.load %arg8[%swap3A, %swap3A_68] : memref<32x256xf32, #tpu.memory_space<vmem>>, vector<32x256xf32>
    tpu.vector_store %arg8[%swap3A, %swap3A_68], %concatenate3A {strides = array<i32>} : memref<32x256xf32, #tpu.memory_space<vmem>>, vector<32x256xf32>,
    %mul3A = arith.constant 0.693147182 : f32
    %mul3A_70 = vector.broadcast %mul3A : f32 to vector<32x256xf32>
    %mul3A_71 = arith.mulf %concatenate3A, %mul3A_70 : vector<32x256xf32>
    %swap3A_72 = arith.constant 0 : index
    %swap3A_73 = arith.constant 0 : index
    %swap3A_74 = vector.load %arg9[%swap3A_72, %swap3A_73] : memref<32x256xf32, #tpu.memory_space<vmem>>, vector<32x256xf32>
    tpu.vector_store %arg9[%swap3A_72, %swap3A_73], %mul3A_71 {strides = array<i32>} : memref<32x256xf32, #tpu.memory_space<vmem>>, vector<32x256xf32>,
    return
  }
  func.func @transform_0(%arg0: i32) -> (i32, i32) {
    %c0_i32 = arith.constant 0 : i32
    %c0_i32_0 = arith.constant 0 : i32
    return %arg0, %c0_i32 : i32, i32
  }
  func.func @transform_1(%arg0: i32) -> (i32, i32) {
    %c0_i32 = arith.constant 0 : i32
    %c0_i32_0 = arith.constant 0 : i32
    %c0_i32_1 = arith.constant 0 : i32
    return %c0_i32, %c0_i32_0 : i32, i32
  }
  func.func @transform_2(%arg0: i32) -> (i32, i32) {
    %c0_i32 = arith.constant 0 : i32
    %c0_i32_0 = arith.constant 0 : i32
    %c0_i32_1 = arith.constant 0 : i32
    return %c0_i32, %c0_i32_0 : i32, i32
  }
  func.func @transform_3(%arg0: i32) -> (i32, i32) {
    %c0_i32 = arith.constant 0 : i32
    %c0_i32_0 = arith.constant 0 : i32
    %c0_i32_1 = arith.constant 0 : i32
    return %c0_i32, %c0_i32_0 : i32, i32
  }
  func.func @transform_4(%arg0: i32) -> (i32, i32) {
    %c0_i32 = arith.constant 0 : i32
    %c0_i32_0 = arith.constant 0 : i32
    %c0_i32_1 = arith.constant 0 : i32
    return %c0_i32, %c0_i32_0 : i32, i32
  }
  func.func @transform_5(%arg0: i32) -> (i32, i32) {
    %c0_i32 = arith.constant 0 : i32
    %c0_i32_0 = arith.constant 0 : i32
    %c0_i32_1 = arith.constant 0 : i32
    return %c0_i32, %c0_i32_0 : i32, i32
  }
  func.func @transform_6(%arg0: i32) -> i32 {
    %c0_i32 = arith.constant 0 : i32
    %c0_i32_0 = arith.constant 0 : i32
    return %c0_i32 : i32
  }
  func.func @transform_7(%arg0: i32) -> (i32, i32) {
    %c0_i32 = arith.constant 0 : i32
    %c0_i32_0 = arith.constant 0 : i32
    return %arg0, %c0_i32 : i32, i32
  }
  func.func @transform_8(%arg0: i32) -> (i32, i32) {
    %c0_i32 = arith.constant 0 : i32
    %c0_i32_0 = arith.constant 0 : i32
    return %arg0, %c0_i32 : i32, i32
  }
}

module attributes {stable_mosaic.version = 14 : i64} {
  func.func @_combine_body(%arg0: memref<416x256xf32, #tpu.memory_space<vmem>>, %arg1: memref<416x256xf32, #tpu.memory_space<vmem>>, %arg2: memref<416x256xf32, #tpu.memory_space<vmem>>, %arg3: memref<416x256xf32, #tpu.memory_space<vmem>>) attributes {dimension_semantics = [], scalar_prefetch = 0 : i64, scratch_operands = 0 : i64, tpu.core_type = #tpu.core_type<tc>} {
    %get3A = arith.constant 0 : index
    %get3A_0 = arith.constant 0 : index
    %get3A_1 = vector.load %arg0[%get3A, %get3A_0] : memref<416x256xf32, #tpu.memory_space<vmem>>, vector<416x256xf32>
    %get3A_2 = arith.constant 0 : index
    %get3A_3 = arith.constant 0 : index
    %get3A_4 = vector.load %arg1[%get3A_2, %get3A_3] : memref<416x256xf32, #tpu.memory_space<vmem>>, vector<416x256xf32>
    %add3A = arith.addf %get3A_1, %get3A_4 : vector<416x256xf32>
    %get3A_5 = arith.constant 0 : index
    %get3A_6 = arith.constant 0 : index
    %get3A_7 = vector.load %arg2[%get3A_5, %get3A_6] : memref<416x256xf32, #tpu.memory_space<vmem>>, vector<416x256xf32>
    %add3A_8 = arith.addf %add3A, %get3A_7 : vector<416x256xf32>
    %swap3A = arith.constant 0 : index
    %swap3A_9 = arith.constant 0 : index
    %swap3A_10 = vector.load %arg3[%swap3A, %swap3A_9] : memref<416x256xf32, #tpu.memory_space<vmem>>, vector<416x256xf32>
    tpu.vector_store %arg3[%swap3A, %swap3A_9], %add3A_8 {strides = array<i32>} : memref<416x256xf32, #tpu.memory_space<vmem>>, vector<416x256xf32>,
    return
  }
}

</mosaic_0001>

<sc_bundles>
// kernel: kernel.5.cloned.1.call-start
scs
__scs_entry_jumppad:
0x0: {  	(pc) =	sbr.rel $0x88, $3  }
0x1: {  	(tag) =	ssettag $0x0;
	lr =	simm.s32 $0x1  }
0x2: {  	[smem:$0x3F99] =	sst lr;
	_ =	strace $0xD0000000  }
0x3: {  	_ = 	snop  }
0x4: {  	_ = 	snop  }
0x5: {  	_ = 	snop  }
0x6: {  	_ = 	snop  }
0x7: {  	_ = 	snop  }
__scs_overlays_trampoline_lowered:
0x8: {  	[smem:$0x3FA8] =	sst s0  }
0x9: {  	[smem:$0x3FA9] =	sst s1  }
0xa: {  	[smem:$0x3FAA] =	sst s2  }
0xb: {  	[smem:$0x3FAB] =	sst s3  }
0xc: {  	[smem:$0x3FAC] =	sst s4  }
0xd: {  	[smem:$0x3FAD] =	sst s5  }
0xe: {  	[smem:$0x3FAE] =	sst s6  }
0xf: {  	[smem:$0x3FAF] =	sst s7  }
0x10: {  	[smem:$0x3FB0] =	sst s8  }
0x11: {  	[smem:$0x3FB1] =	sst s9;
	s0 =	simm.s32 @!p0 $0x0  }
0x12: {  	s1 =	sld [smem:$0x3F97];
	s0 =	simm.s32 @p0 $0x1  }
0x13: {  	[smem:$0x3FB2] =	sst s0;
	s0 =	simm.s32 @!p1 $0x0  }
0x14: {  	s2 =	sld [smem:$0x3F96];
	s0 =	simm.s32 @p1 $0x1  }
0x15: {  	[smem:$0x3FB3] =	sst s0;
	s0 =	simm.s32 @!p2 $0x0  }
0x16: {  	s3 =	sld [smem:$0x3FDB];
	s0 =	simm.s32 @p2 $0x1  }
0x17: {  	s4 =	simm.s32 $0x1BF5;
	[smem:$0x3FB5] =	sst s0  }
0x18: {  	s0 =	sld [smem:$0x3F98];
	_ =	swait.ge [sflag:s4], $0x0  }
0x19: {  	s7 =	sld [smem:$0x3F99]  }
0x1a: {  	s8 =	sadd.s32 $0xFFFFE003, lr  }
0x1b: {  	s9 =	sadd.s32 $0xFFFFFEF7, lr;
	s5 =	simm.s32 $0xFFFFFFFF;
	p2 =	slt.u32 s8, $0xFFFFF086  }
0x1c: {  	p1 =	slt.u32 s9, $0xF7A;
	s5 =	simm.s32 @!p2 $0x0  }
0x1d: {  	s5 =	simm.s32 @p1 $0x1;
	p0 =	seq.s32 s7, s2  }
0x1e: {  	s7 =	smul.u32 @!p0 $0xF7A, s2;
	p2 =	seq.s32 @!p0 s5, $0x0  }
0x1f: {  	s9 =	smul.u32 $0xF7A, s1;
	s8 =	simm.s32 @!p0 $0x1BF5;
	p2 =	por !p2, p0  }
0x20: {  	[sflag:s8] =	ssyncset.s32 @!p0 $0xFFFFF086;
	s6 =	sadd.s32 @!p0 s3, s7;
	s7 =	simm.s32 @!p0 $0x108  }
0x21: {  	s3 =	sadd.s32 s3, s9;
	s6 =	sadd.s32 @!p0 $0x88, s6;
	s7 =	simm.s32 @p2 $0x1082  }
0x22: {  	[simem:s7], [sflag:s8] =	dma.local @!p0 [hbm:s6], $0xF7A  }
0x23: {  	s9 =	sor.u32 $0xD0000000, s2;
	s6 =	simm.s32 $0x108;
	_ =	swait.ge @!p0 [sflag:s8], $0x0  }
0x24: {  	s3 =	sadd.s32 $0x88, s3;
	s6 =	simm.s32 @!p1 $0x1082;
	[sflag:s4] =	ssyncset.s32 $0xFFFFF086  }
0x25: {  	[simem:s6], [sflag:s4] =	dma.local [hbm:s3], $0xF7A  }
0x26: {  	[smem:$0x3F99] =	sst s1;
	(tag) =	ssettag s2;
	_ =	strace s9  }
0x27: {  	s1 =	sld [smem:$0x3FA9]  }
0x28: {  	s2 =	sld [smem:$0x3FAA]  }
0x29: {  	s4 =	sld [smem:$0x3FAC]  }
0x2a: {  	p0 =	seq.s32 s5, $0x0;
	s5 =	sld [smem:$0x3FAD]  }
0x2b: {  	s6 =	sld [smem:$0x3FAE]  }
0x2c: {  	s7 =	sld [smem:$0x3FAF]  }
0x2d: {  	s3 =	simm.s32 $0x108;
	s8 =	sld [smem:$0x3FB0]  }
0x2e: {  	s3 =	simm.s32 @!p0 $0x1082;
	s9 =	sld [smem:$0x3FB1]  }
0x2f: {  	lr =	sadd.s32 s0, s3;
	s0 =	sld [smem:$0x3FA8]  }
0x30: {  	s3 =	sld [smem:$0x3FAB]  }
0x31: {  	[smem:$0x3FB4] =	sst s10  }
0x32: {  	s10 =	sld [smem:$0x3FB2];
	_ =	sdelay $0x3  }
0x33: {  	p0 =	seq.s32 s10, $0x1;
	s10 =	sld [smem:$0x3FB4];
	_ =	sdelay $0x3  }
0x34: {  	[smem:$0x3FB4] =	sst s10  }
0x35: {  	s10 =	sld [smem:$0x3FB3];
	_ =	sdelay $0x3  }
0x36: {  	p1 =	seq.s32 s10, $0x1;
	s10 =	sld [smem:$0x3FB4];
	_ =	sdelay $0x3  }
0x37: {  	[smem:$0x3FB4] =	sst s10  }
0x38: {  	s10 =	sld [smem:$0x3FB5]  }
0x39: {  	_ = 	snop;
	(pc) =	sbr.ind lr, $3  }
0x3a: {  	_ = 	snop  }
0x3b: {  	_ = 	snop  }
0x3c: {  	p2 =	seq.s32 s10, $0x1;
	s10 =	sld [smem:$0x3FB4]  }
0x3d: {  	_ =	shalt  }
0x3e: {  	_ =	shalt  }
0x3f: {  	_ =	shalt  }
0x40: {  	_ =	shalt  }
0x41: {  	_ =	shalt  }
0x42: {  	_ =	shalt  }
0x43: {  	_ =	shalt  }
0x44: {  	_ =	shalt  }
0x45: {  	_ =	shalt  }
0x46: {  	_ =	shalt  }
0x47: {  	_ =	shalt  }
0x48: {  	_ =	shalt  }
0x49: {  	_ =	shalt  }
0x4a: {  	_ =	shalt  }
0x4b: {  	_ =	shalt  }
0x4c: {  	_ =	shalt  }
0x4d: {  	_ =	shalt  }
0x4e: {  	_ =	shalt  }
0x4f: {  	_ =	shalt  }
0x50: {  	_ =	shalt  }
0x51: {  	_ =	shalt  }
0x52: {  	_ =	shalt  }
0x53: {  	_ =	shalt  }
0x54: {  	_ =	shalt  }
0x55: {  	_ =	shalt  }
0x56: {  	_ =	shalt  }
0x57: {  	_ =	shalt  }
0x58: {  	_ =	shalt  }
0x59: {  	_ =	shalt  }
0x5a: {  	_ =	shalt  }
0x5b: {  	_ =	shalt  }
0x5c: {  	_ =	shalt  }
0x5d: {  	_ =	shalt  }
0x5e: {  	_ =	shalt  }
0x5f: {  	_ =	shalt  }
0x60: {  	_ =	shalt  }
0x61: {  	_ =	shalt  }
0x62: {  	_ =	shalt  }
0x63: {  	_ =	shalt  }
0x64: {  	_ =	shalt  }
0x65: {  	_ =	shalt  }
0x66: {  	_ =	shalt  }
0x67: {  	_ =	shalt  }
0x68: {  	_ =	shalt  }
0x69: {  	_ =	shalt  }
0x6a: {  	_ =	shalt  }
0x6b: {  	_ =	shalt  }
0x6c: {  	_ =	shalt  }
0x6d: {  	_ =	shalt  }
0x6e: {  	_ =	shalt  }
0x6f: {  	_ =	shalt  }
0x70: {  	_ =	shalt  }
0x71: {  	_ =	shalt  }
0x72: {  	_ =	shalt  }
0x73: {  	_ =	shalt  }
0x74: {  	_ =	shalt  }
0x75: {  	_ =	shalt  }
0x76: {  	_ =	shalt  }
0x77: {  	_ =	shalt  }
0x78: {  	_ =	shalt  }
0x79: {  	_ =	shalt  }
0x7a: {  	_ =	shalt  }
0x7b: {  	_ =	shalt  }
0x7c: {  	_ =	shalt  }
0x7d: {  	_ =	shalt  }
0x7e: {  	_ =	shalt  }
0x7f: {  	_ =	shalt  }
0x80: {  	_ =	shalt  }
0x81: {  	_ =	shalt  }
0x82: {  	_ =	shalt  }
0x83: {  	_ =	shalt  }
0x84: {  	_ =	shalt  }
0x85: {  	_ =	shalt  }
0x86: {  	_ =	shalt  }
0x87: {  	_ =	shalt  }
.Lfunc_end0:
.L_simem_size_0:
called_computation_lowered:
.L_overlay_start_0:
0x88: {  	s2 =	sld [smem:$0x3FD9]  }
0x89: {  	s3 =	sld [smem:$0x3FFE];
	_ =	sdelay $0x1  }
0x8a: {  	s1 =	srdreg.scid  }
0x8b: {  	s0 =	sand.u32 $0x1, s1  }
0x8c: {  	s17 =	sshll.u32 s0, $0xA;
	s2 =	sadd.s32 s3, s2  }
0x8d: {  	s2 =	sadd.s32 s2, s17  }
0x8e: {  	[smem:$0x3FC0] =	sst s2  }
0x8f: {  	_ = 	snop  }
0x90: {  	s2 =	sld [smem:$0x3FC8];
	(tm) =	ssettm $0x1  }
0x91: {  	s18 =	sld [smem:$0x3FFB];
	_ =	sdelay $0x3  }
0x92: {  	_ =	strace s18  }
0x93: {  	s3 =	sld [smem:$0x3FFC];
	_ =	sdelay $0x3  }
0x94: {  	_ =	strace s3  }
0x95: {  	s3 =	sld [smem:$0x3FFD];
	_ =	sdelay $0x3  }
0x96: {  	_ =	strace s3  }
0x97: {  	_ =	strace $0x8FFFFFFF  }
0x98: {  	s19 =	sld [smem:$0x3FDB];
	_ =	sdelay $0x1  }
0x99: {  	s4 =	simm.s32 $_scs_section_size  }
0x9a: {  	s5 =	simm.s32 $_size__tile_overlayer_lowered;
	s6 =	simm.s32 $_tile_overlayer_lowered  }
0x9b: {  	s22 =	simm.s32 $0x1BFF;
	s21 =	sshll.u32 s6, $0x1;
	s3 =	sadd.s32 s4, s19  }
0x9c: {  	s7 =	simm.s32 $0x0;
	s20 =	sshll.u32 s5, $0x1;
	s5 =	sadd.s32 s21, s3  }
0x9d: {  	[timem:s7], [sflag:s22] =	dma.local [hbm:s5], s20  }
0x9e: {  	_ =	swait.ge [sflag:s22], s20  }
0x9f: {  	s4 =	ssub.s32 $0x0, s20;
	[sflag:s22] =	ssyncset.done $0x0  }
0xa0: {  	[sflag:s22] =	ssyncadd.s32 s4;
	_ =	sdelay $0x1  }
0xa1: {  	s23 =	simm.s32 $0x1B8B  }
0xa2: {  	_ =	swait.ge [sflag:s23], $0x1  }
0xa3: {  	[sflag:s23] =	ssyncset.done $0x0  }
0xa4: {  	s25 =	simm.s32 $0x1B8E;
	s24 =	sld [smem:$0x3FFE];
	[sflag:s23] =	ssyncadd.s32 $0xFFFFFFFF  }
0xa5: {  	s26 =	simm.s32 $execute0_lowered;
	[smem:$0x3FD2] =	sst s25  }
0xa6: {  	s5 =	sshll.u32 s26, $0x1;
	_ =	strace $0x80000046;
	[dreg:$0x1] =	wrdreg $0xFFFFFFFF  }
0xa7: {  	s28 =	simm.s32 $_size_execute0_lowered;
	s3 =	sadd.s32 s3, s5;
	[dreg:$0x0] =	wrdreg $0x0  }
0xa8: {  	s5 =	sshll.u32 s28, $0x1;
	[dreg:$0x2] =	wrdreg s3  }
0xa9: {  	[dreg:$0x3] =	wrdreg s5  }
0xaa: {  	[dreg:$0x4] =	wrdreg $0xC0  }
0xab: {  	_ =	task [dreg:s7], $0x5FFFF  }
0xac: {  	[dreg:$0x1] =	wrdreg $0xFFFFFFFF  }
0xad: {  	[dreg:$0x0] =	wrdreg $0x60  }
0xae: {  	[dreg:$0x2] =	wrdreg s24  }
0xaf: {  	[dreg:$0x3] =	wrdreg s2  }
0xb0: {  	[dreg:$0x4] =	wrdreg $0x1E4000  }
0xb1: {  	[dreg:$0x5] =	wrdreg $0x9  }
0xb2: {  	_ =	task.clear_ibuf [dreg:s7], $0x6FFFF;
	_ =	strace $0x90000046  }
0xb3: {  	s29 =	simm.s32 $0x9;
	_ =	strace $0x80000048  }
0xb4: {  	_ =	swait.ge [sflag:s29], $0x1  }
0xb5: {  	[sflag:s29] =	ssyncadd.s32 $0xFFFFFFFF  }
0xb6: {  	_ =	strace $0x90000048  }
0xb7: {  	_ =	sfence  }
0xb8: {  	s30 =	sld [smem:$0x0];
	_ =	sdelay $0x2  }
0xb9: {  	s31 =	sshll.u32 s1, $0xD;
	s1 =	sshrl.u32 s1, $0x2  }
0xba: {  	s3 =	sand.u32 $0x4000, s31;
	s1 =	sadd.s32 s1, s30  }
0xbb: {  	s0 =	sor.u32 s3, s0;
	s1 =	sshll.u32 s1, $0x11  }
0xbc: {  	s0 =	sor.u32 s1, s0  }
0xbd: {  	s0 =	sadd.s32 $0x8F2B, s0  }
0xbe: {  	[sflag:s0] =	ssyncadd.remote.s32 $0x1  }
0xbf: {  	_ =	sfence.sel $0xFFFF  }
0xc0: {  	[dreg:$0x0] =	wrdreg $0xFFFFFFFF;
	(pc) =	sbr.abs _section_cstart, $3  }
0xc1: {  	[dreg:$0x1] =	wrdreg $0xFFFFFFFF  }
0xc2: {  	_ =	task.clear_ibuf [dreg:s7], $0x2FFFF;
	_ =	strace $0x9FFFFFFF  }
0xc3: {  	(tm) =	ssettm $0x7FFFFFFF  }
tec
execute0_lowered:
.L_overlay_start_1:
0x0: {  	(tag) =	ssettag $0x1  }
0x1: {  	s0 =	rddreg [dreg:$0x0]  }
0x2: {  	s2 =	rddreg [dreg:$0x1]  }
0x3: {  	s3 =	rddreg [dreg:$0x2]  }
0x4: {  	s1 =	srdreg.scid;
	s12 =	stileid.u32  }
0x5: {  	s4 =	simm.s32 $0x0;
	s16 =	simm.s32 $0x7;
	s17 =	simm.s32 $0x18700  }
0x6: {  	s18 =	simm.s32 $0x19B00;
	s28 =	simm.s32 $0x1CD00;
	s29 =	simm.s32 $0x1BE00  }
0x7: {  	s30 =	simm.s32 $0x1D200;
	s1 =	sand.u32 $0x1, s1;
	s5 =	smul.u32 $0x3400, s12  }
0x8: {  	[smem:$0x7FF] =	sst s4;
	s19 =	sadd.s32 $0xC00, s0;
	s20 =	sshll.u32 s12, $0x1  }
0x9: {  	s21 =	smul.u32 $0x6800, s12;
	p0 =	sgt.u32 s12, $0x1;
	s6 =	sshll.u32 s1, $0x7  }
0xa: {  	_ =	strace $0x80000047;
	s7 =	ssub.s32 $0x2, s1;
	s1 =	sor.u32 s1, s20  }
0xb: {  	[dreg:$0x4] =	wrdreg s19;
	s19 =	simm.s32 $0x1;
	s8 =	smul.u32 $0x61800, s1  }
0xc: {  	s20 =	simm.s32 $0x500;
	s5 =	sor.u32 s6, s5;
	s9 =	smul.u32 $0xC300, s1  }
0xd: {  	s22 =	sshrl.u32 s7, $0x1;
	s6 =	sshrl.u32 s21, $0x2;
	s10 =	smul.u32 $0x280, s1  }
0xe: {  	s21 =	simm.s32 $0x1AF00;
	s5 =	sshrl.u32 s5, $0x3;
	s6 =	sadd.s32 s6, s3  }
0xf: {  	s0 =	sadd.s32 s5, s0;
	s5 =	ssub.s32 s7, s22;
	s8 =	sshrl.u32 s8, $0x3  }
0x10: {  	s7 =	smul.u32 $0x4E, s1;
	s23 =	sadd.s32 $0xD00, s6;
	s25 =	sadd.s32 s2, s9  }
0x11: {  	s26 =	sadd.s32 s10, s2;
	s22 =	simm.s32 $0x1C300;
	[dreg:$0x5] =	wrdreg s23  }
0x12: {  	s24 =	sadd.s32 s2, s8;
	[dreg:$0x6] =	wrdreg s25;
	s0 =	sadd.s32 $0x3E00, s0  }
.Ltmp0:
0x13: {  	s31 =	smax.u32 s5, $0x1;
	s23 =	simm.s32 $0x1B400;
	(pc) =	sbr.rel .LBB2_1-.Ltmp0, $4  }
0x14: {  	s25 =	simm.s32 $0x2;
	s5 =	simm.s32 $0x0;
	[dreg:$0x9] =	wrdreg s0  }
0x15: {  	s1 =	sadd.s32 $0x280, s24;
	s11 =	sor.u32 $0x1, s7;
	[dreg:$0xa] =	wrdreg s31  }
0x16: {  	s24 =	simm.s32 $0x1C800;
	[dreg:$0x7] =	wrdreg s1;
	s1 =	sadd.s32 $0x186000, s26  }
0x17: {  	v0 =	vimm.f32 $0.0e+00;
	s26 =	simm.s32 $0x1B900;
	[dreg:$0x8] =	wrdreg s1;
	s1 =	simm.s32 $0x6  }
.LBB2_19:
0x18: {  	s0 =	stileid.u32;
	[bflag:$0x0] =	sbarrier.arrive $0xFFFF  }
0x19: {  	s8 =	sshrl.u32 s6, $0x3;
	s10 =	simm.s32 $0x20;
	s0 =	sshll.u32 s0, $0x6  }
0x1a: {  	s12 =	simm.s32 $0x10;
	s9 =	rddreg [dreg:$0x9];
	s0 =	sor.u32 $0x1C07, s0  }
0x1b: {  	[hbm:s9@s10], [sflag:s0] =	dma.strided [spmem:s8@s12], $0x340, s19, $0x10   }
0x1c: {  	_ =	swait.ge [sflag:s16], $0x340  }
0x1d: {  	s5 =	sadd.s32 $0x1, s5;
	s31 =	rddreg [dreg:$0xa]  }
0x1e: {  	p1 =	sne.s32 s5, s31  }
.Ltmp1:
0x1f: {  	_ = 	snop;
	(pc) =	sbr.rel @!p1 .LBB2_20-.Ltmp1, $3  }
0x20: {  	_ =	sdelay $0x1  }
0x21: {  	[sflag:s16] =	ssyncset.done $0x0  }
0x22: {  	[sflag:s16] =	ssyncadd.s32 $0xFFFFFCC0  }
.LBB2_1:
0x23: {  	s0 =	simm.s32 $0x1D740  }
0x24: {  	[tilespmem:s0+$0xFFFFFFC0] =	vst v0  }
0x25: {  	[tilespmem:s0+$0x30] =	vst v0  }
0x26: {  	[tilespmem:s0+$0x20] =	vst v0  }
0x27: {  	[tilespmem:s0+$0x10] =	vst v0  }
0x28: {  	[tilespmem:s0+$0x0] =	vst v0  }
0x29: {  	[tilespmem:s0+$0xFFFFFFF0] =	vst v0  }
0x2a: {  	s8 =	simm.s32 $0x0;
	[tilespmem:s0+$0xFFFFFFE0] =	vst v0  }
.LBB2_2:
0x2b: {  	s8 =	sadd.s32 $0x80, s8;
	[tilespmem:s0+$0xFFFFFFD0] =	vst v0;
	s0 =	sadd.s32 $0x80, s0  }
0x2c: {  	[tilespmem:s0+$0xFFFFFFC0] =	vst v0;
	p1 =	slt.u32 s8, $0xC80  }
0x2d: {  	[tilespmem:s0+$0x30] =	vst v0  }
.Ltmp2:
0x2e: {  	[tilespmem:s0+$0x20] =	vst v0;
	(pc) =	sbr.rel @p1 .LBB2_2-.Ltmp2, $4  }
0x2f: {  	[tilespmem:s0+$0x10] =	vst v0  }
0x30: {  	[tilespmem:s0+$0x0] =	vst v0  }
0x31: {  	[tilespmem:s0+$0xFFFFFFF0] =	vst v0  }
0x32: {  	[tilespmem:s0+$0xFFFFFFE0] =	vst v0  }
0x33: {  	[tilespmem:s0+$0xFFFFFFD0] =	vst v0;
	s8 =	simm.s32 $0x1D700  }
0x34: {  	[spmem:s6] =	stream.linear.scatter [tilespmem:s8], [sflag:$0x7], $0xD00, $0x38;
	[tilespmem:$0x1FE00] =	vst v63  }
0x35: {  	_ =	swait.ge [sflag:s16], $0xD00  }
0x36: {  	[sflag:s16] =	ssyncset.done $0x0  }
0x37: {  	s12 =	rddreg [dreg:$0x5];
	[sflag:s16] =	ssyncadd.s32 $0xFFFFF300  }
0x38: {  	[spmem:s12] =	stream.linear.scatter [tilespmem:s8], [sflag:$0x7], $0xD00, $0x38;
	[tilespmem:$0x1FE00] =	vst v63  }
0x39: {  	_ =	swait.ge [sflag:s16], $0xD00  }
0x3a: {  	[sflag:s16] =	ssyncset.done $0x0  }
0x3b: {  	s15 =	simm.s32 $0x0;
	s13 =	rddreg [dreg:$0x4];
	[sflag:s16] =	ssyncadd.s32 $0xFFFFF300  }
0x3c: {  	[tilespmem:s15], [sflag:$0x7] =	stream.linear.gather [hbm4b:s13+s15], $0x18700, $0x38;
	[tilespmem:$0x1FE00] =	vst v63  }
0x3d: {  	_ =	swait.ge [sflag:s16], $0x18700  }
0x3e: {  	[sflag:s16] =	ssyncset.done $0x0  }
0x3f: {  	[sflag:s16] =	ssyncadd.s32 $0xFFFE7900  }
0x40: {  	[bflag:$0x0] =	sbarrier.arrive $0xFFFF  }
0x41: {  	s14 =	rddreg [dreg:$0x6]  }
0x42: {  	[tilespmem:s17], [sflag:$0x1] =	stream.linear.gather [hbm4b:s14+s15], $0x1400, $0x38;
	[tilespmem:$0x1FE00] =	vst v63  }
0x43: {  	s31 =	rddreg [dreg:$0x7]  }
0x44: {  	[tilespmem:s18], [sflag:$0x2] =	stream.linear.gather [hbm4b:s31+s15], $0x1400, $0x38;
	[tilespmem:$0x1FE00] =	vst v63  }
.LBB2_4:
0x45: {  	_ =	swait.ge [sflag:s19], $0x1400  }
0x46: {  	p1 =	seq.s32 s15, $0x0;
	[sflag:s19] =	ssyncset.done $0x0  }
0x47: {  	s0 =	simm.s32 @!p1 $0x3;
	[sflag:s19] =	ssyncadd.s32 $0xFFFFEC00  }
0x48: {  	_ =	swait.ge @!p1 [sflag:s0], $0x500  }
0x49: {  	[sflag:s0] =	ssyncset.done @!p1 $0x0  }
0x4a: {  	[sflag:s0] =	ssyncadd.s32 @!p1 $0xFFFFFB00;
	s0 =	simm.s32 @!p1 $0x4  }
0x4b: {  	_ =	swait.ge @!p1 [sflag:s0], $0x500  }
0x4c: {  	[sflag:s0] =	ssyncset.done @!p1 $0x0  }
0x4d: {  	s12 =	simm.s32 $0x18780;
	[sflag:s0] =	ssyncadd.s32 @!p1 $0xFFFFFB00  }
0x4e: {  	v1 =	vld [tilespmem:s12+$0x70]  }
0x4f: {  	v2 =	vld [tilespmem:s12+$0x10]  }
0x50: {  	v3 =	vld [tilespmem:s12+$0x20]  }
0x51: {  	v4 =	vld [tilespmem:s12+$0x30]  }
0x52: {  	v5 =	vld [tilespmem:s12+$0x40]  }
0x53: {  	v6 =	vld [tilespmem:s12+$0x50]  }
0x54: {  	v7 =	vld [tilespmem:s12+$0x60]  }
0x55: {  	v8 =	vld [tilespmem:s12+$0x0]  }
0x56: {  	v1 =	vld.idx.msk [tilespmem:v1+s4+$0x0], $0xffff  }
0x57: {  	v2 =	vld.idx.msk [tilespmem:v2+s4+$0x0], $0xffff  }
0x58: {  	v3 =	vld.idx.msk [tilespmem:v3+s4+$0x0], $0xffff  }
0x59: {  	v4 =	vld.idx.msk [tilespmem:v4+s4+$0x0], $0xffff  }
0x5a: {  	v5 =	vld.idx.msk [tilespmem:v5+s4+$0x0], $0xffff  }
0x5b: {  	s14 =	simm.s32 $0x1C340;
	v6 =	vld.idx.msk [tilespmem:v6+s4+$0x0], $0xffff  }
0x5c: {  	v7 =	vld.idx.msk [tilespmem:v7+s4+$0x0], $0xffff;
	[tilespmem:s14+$0x30] =	vst v1  }
0x5d: {  	v8 =	vld.idx.msk [tilespmem:v8+s4+$0x0], $0xffff;
	[tilespmem:s14+$0xFFFFFFD0] =	vst v2  }
0x5e: {  	[tilespmem:s14+$0xFFFFFFE0] =	vst v3;
	v9 =	vld [tilespmem:s12+$0xFFFFFFF0]  }
0x5f: {  	[tilespmem:s14+$0xFFFFFFF0] =	vst v4;
	v10 =	vld [tilespmem:s12+$0xFFFFFF90]  }
0x60: {  	[tilespmem:s14+$0x0] =	vst v5;
	v1 =	vld [tilespmem:s12+$0xFFFFFFA0]  }
0x61: {  	[tilespmem:s14+$0x10] =	vst v6;
	v2 =	vld [tilespmem:s12+$0xFFFFFFB0]  }
0x62: {  	[tilespmem:s14+$0x20] =	vst v7;
	v3 =	vld [tilespmem:s12+$0xFFFFFFC0]  }
0x63: {  	s31 =	simm.s32 $0x1AF40;
	[tilespmem:s14+$0xFFFFFFC0] =	vst v8;
	v4 =	vld [tilespmem:s12+$0xFFFFFFD0]  }
0x64: {  	s8 =	sshll.u32 s15, $0x1;
	s13 =	simm.s32 $0x191F0;
	s9 =	simm.s32 $0x1B440;
	v5 =	vld [tilespmem:s12+$0xFFFFFFE0];
	[tilespmem:s31+$0x30] =	vst v9  }
0x65: {  	s10 =	simm.s32 $0x1C840;
	s0 =	simm.s32 $0x0;
	v6 =	vld [tilespmem:s12+$0xFFFFFF80];
	s12 =	simm.s32 $0x18880;
	[tilespmem:s31+$0xFFFFFFD0] =	vst v10  }
.LBB2_5:
0x66: {  	v7 =	vld [tilespmem:s12+$0x70];
	s0 =	sadd.s32 $0x80, s0;
	[tilespmem:s31+$0xFFFFFFE0] =	vst v1  }
0x67: {  	v1 =	vld [tilespmem:s12+$0x10];
	p2 =	slt.u32 s0, $0x480;
	[tilespmem:s31+$0xFFFFFFF0] =	vst v2  }
0x68: {  	v2 =	vld [tilespmem:s12+$0x20];
	[tilespmem:s31+$0x0] =	vst v3  }
0x69: {  	v3 =	vld [tilespmem:s12+$0x30];
	[tilespmem:s31+$0x10] =	vst v4  }
0x6a: {  	v4 =	vld [tilespmem:s12+$0x40];
	[tilespmem:s31+$0xFFFFFFC0] =	vst v6  }
0x6b: {  	v6 =	vld [tilespmem:s12+$0x50];
	[tilespmem:s31+$0x20] =	vst v5  }
0x6c: {  	v5 =	vld [tilespmem:s12+$0x60]  }
0x6d: {  	v8 =	vld [tilespmem:s12+$0x0]  }
0x6e: {  	v7 =	vld.idx.msk [tilespmem:v7+s4+$0x0], $0xffff  }
0x6f: {  	v1 =	vld.idx.msk [tilespmem:v1+s4+$0x0], $0xffff  }
0x70: {  	v2 =	vld.idx.msk [tilespmem:v2+s4+$0x0], $0xffff  }
0x71: {  	v3 =	vld.idx.msk [tilespmem:v3+s4+$0x0], $0xffff  }
0x72: {  	v4 =	vld.idx.msk [tilespmem:v4+s4+$0x0], $0xffff  }
0x73: {  	s14 =	sadd.s32 $0x80, s14;
	v6 =	vld.idx.msk [tilespmem:v6+s4+$0x0], $0xffff  }
0x74: {  	v5 =	vld.idx.msk [tilespmem:v5+s4+$0x0], $0xffff;
	[tilespmem:s14+$0x30] =	vst v7  }
0x75: {  	[tilespmem:s14+$0xFFFFFFD0] =	vst v1;
	v7 =	vld [tilespmem:s12+$0xFFFFFFF0]  }
0x76: {  	v8 =	vld.idx.msk [tilespmem:v8+s4+$0x0], $0xffff;
	[tilespmem:s14+$0xFFFFFFE0] =	vst v2  }
0x77: {  	v9 =	vld [tilespmem:s12+$0xFFFFFF90];
	[tilespmem:s14+$0xFFFFFFF0] =	vst v3  }
0x78: {  	v1 =	vld [tilespmem:s12+$0xFFFFFFA0];
	[tilespmem:s14+$0x0] =	vst v4  }
.Ltmp3:
0x79: {  	s31 =	sadd.s32 $0x80, s31;
	v2 =	vld [tilespmem:s12+$0xFFFFFFB0];
	[tilespmem:s14+$0x10] =	vst v6;
	(pc) =	sbr.rel @p2 .LBB2_5-.Ltmp3, $4  }
0x7a: {  	v3 =	vld [tilespmem:s12+$0xFFFFFFC0];
	[tilespmem:s31+$0x30] =	vst v7  }
0x7b: {  	v4 =	vld [tilespmem:s12+$0xFFFFFFD0];
	[tilespmem:s14+$0x20] =	vst v5  }
0x7c: {  	[tilespmem:s14+$0xFFFFFFC0] =	vst v8;
	v5 =	vld [tilespmem:s12+$0xFFFFFFE0]  }
0x7d: {  	v6 =	vld [tilespmem:s12+$0xFFFFFF80];
	[tilespmem:s31+$0xFFFFFFD0] =	vst v9;
	s12 =	sadd.s32 $0x100, s12  }
0x7e: {  	[tilespmem:s31+$0xFFFFFFE0] =	vst v1  }
0x7f: {  	[tilespmem:s31+$0xFFFFFFF0] =	vst v2  }
0x80: {  	[tilespmem:s31+$0x0] =	vst v3  }
0x81: {  	[tilespmem:s31+$0x10] =	vst v4  }
0x82: {  	[tilespmem:s31+$0x20] =	vst v5  }
0x83: {  	[tilespmem:s31+$0xFFFFFFC0] =	vst v6  }
0x84: {  	v1 =	vld [tilespmem:s13+$0x0]  }
0x85: {  	v2 =	vld [tilespmem:s13+$0xFFFFFFA0]  }
0x86: {  	v3 =	vld [tilespmem:s13+$0xFFFFFFB0]  }
0x87: {  	v4 =	vld [tilespmem:s13+$0xFFFFFFC0]  }
0x88: {  	v5 =	vld [tilespmem:s13+$0xFFFFFFD0]  }
0x89: {  	v6 =	vld [tilespmem:s13+$0xFFFFFFE0]  }
0x8a: {  	v7 =	vld [tilespmem:s13+$0xFFFFFFF0]  }
0x8b: {  	v8 =	vld [tilespmem:s13+$0xFFFFFF90]  }
0x8c: {  	v1 =	vld.idx.msk [tilespmem:v1+s4+$0x0], $0xffff  }
0x8d: {  	v2 =	vld.idx.msk [tilespmem:v2+s4+$0x0], $0xffff  }
0x8e: {  	v3 =	vld.idx.msk [tilespmem:v3+s4+$0x0], $0xffff  }
0x8f: {  	v4 =	vld.idx.msk [tilespmem:v4+s4+$0x0], $0xffff  }
0x90: {  	v5 =	vld.idx.msk [tilespmem:v5+s4+$0x0], $0xffff  }
0x91: {  	v6 =	vld.idx.msk [tilespmem:v6+s4+$0x0], $0xffff  }
0x92: {  	v7 =	vld.idx.msk [tilespmem:v7+s4+$0x0], $0xffff;
	[tilespmem:s10+$0x30] =	vst v1  }
0x93: {  	v8 =	vld.idx.msk [tilespmem:v8+s4+$0x0], $0xffff;
	[tilespmem:s10+$0xFFFFFFD0] =	vst v2  }
0x94: {  	[tilespmem:s10+$0xFFFFFFE0] =	vst v3;
	v1 =	vld [tilespmem:s13+$0xFFFFFF80]  }
0x95: {  	[tilespmem:s10+$0xFFFFFFF0] =	vst v4;
	v9 =	vld [tilespmem:s13+$0xFFFFFF20]  }
0x96: {  	[tilespmem:s10+$0x0] =	vst v5;
	v3 =	vld [tilespmem:s13+$0xFFFFFF30]  }
0x97: {  	[tilespmem:s10+$0x10] =	vst v6;
	v2 =	vld [tilespmem:s13+$0xFFFFFF40]  }
0x98: {  	[tilespmem:s10+$0x20] =	vst v7;
	v4 =	vld [tilespmem:s13+$0xFFFFFF50]  }
0x99: {  	[tilespmem:s10+$0xFFFFFFC0] =	vst v8;
	v5 =	vld [tilespmem:s13+$0xFFFFFF60]  }
0x9a: {  	v6 =	vld [tilespmem:s13+$0xFFFFFF10];
	[tilespmem:s9+$0x30] =	vst v1  }
0x9b: {  	s0 =	simm.s32 $0x0;
	s12 =	simm.s32 $0x192F0;
	v1 =	vld [tilespmem:s13+$0xFFFFFF70];
	[tilespmem:s9+$0xFFFFFFD0] =	vst v9  }
.LBB2_7:
0x9c: {  	v7 =	vld [tilespmem:s12+$0x0];
	s0 =	sadd.s32 $0x80, s0;
	[tilespmem:s9+$0xFFFFFFE0] =	vst v3  }
0x9d: {  	v3 =	vld [tilespmem:s12+$0xFFFFFFA0];
	p2 =	slt.u32 s0, $0x480;
	[tilespmem:s9+$0xFFFFFFF0] =	vst v2  }
0x9e: {  	v2 =	vld [tilespmem:s12+$0xFFFFFFB0];
	[tilespmem:s9+$0x0] =	vst v4  }
0x9f: {  	v4 =	vld [tilespmem:s12+$0xFFFFFFC0];
	[tilespmem:s9+$0x10] =	vst v5  }
0xa0: {  	v5 =	vld [tilespmem:s12+$0xFFFFFFD0];
	[tilespmem:s9+$0xFFFFFFC0] =	vst v6  }
0xa1: {  	v6 =	vld [tilespmem:s12+$0xFFFFFFE0];
	[tilespmem:s9+$0x20] =	vst v1  }
0xa2: {  	v1 =	vld [tilespmem:s12+$0xFFFFFFF0]  }
0xa3: {  	v8 =	vld [tilespmem:s12+$0xFFFFFF90]  }
0xa4: {  	v7 =	vld.idx.msk [tilespmem:v7+s4+$0x0], $0xffff  }
0xa5: {  	v3 =	vld.idx.msk [tilespmem:v3+s4+$0x0], $0xffff  }
0xa6: {  	v2 =	vld.idx.msk [tilespmem:v2+s4+$0x0], $0xffff  }
0xa7: {  	v4 =	vld.idx.msk [tilespmem:v4+s4+$0x0], $0xffff  }
0xa8: {  	v5 =	vld.idx.msk [tilespmem:v5+s4+$0x0], $0xffff  }
0xa9: {  	s10 =	sadd.s32 $0x80, s10;
	v6 =	vld.idx.msk [tilespmem:v6+s4+$0x0], $0xffff  }
0xaa: {  	v1 =	vld.idx.msk [tilespmem:v1+s4+$0x0], $0xffff;
	[tilespmem:s10+$0x30] =	vst v7  }
0xab: {  	[tilespmem:s10+$0xFFFFFFD0] =	vst v3;
	v7 =	vld [tilespmem:s12+$0xFFFFFF80]  }
0xac: {  	v8 =	vld.idx.msk [tilespmem:v8+s4+$0x0], $0xffff;
	[tilespmem:s10+$0xFFFFFFE0] =	vst v2  }
0xad: {  	v9 =	vld [tilespmem:s12+$0xFFFFFF20];
	[tilespmem:s10+$0xFFFFFFF0] =	vst v4  }
0xae: {  	v3 =	vld [tilespmem:s12+$0xFFFFFF30];
	[tilespmem:s10+$0x0] =	vst v5  }
.Ltmp4:
0xaf: {  	s9 =	sadd.s32 $0x80, s9;
	v2 =	vld [tilespmem:s12+$0xFFFFFF40];
	[tilespmem:s10+$0x10] =	vst v6;
	(pc) =	sbr.rel @p2 .LBB2_7-.Ltmp4, $4  }
0xb0: {  	v4 =	vld [tilespmem:s12+$0xFFFFFF50];
	[tilespmem:s9+$0x30] =	vst v7  }
0xb1: {  	v5 =	vld [tilespmem:s12+$0xFFFFFF60];
	[tilespmem:s10+$0x20] =	vst v1  }
0xb2: {  	[tilespmem:s10+$0xFFFFFFC0] =	vst v8;
	v1 =	vld [tilespmem:s12+$0xFFFFFF70]  }
0xb3: {  	v6 =	vld [tilespmem:s12+$0xFFFFFF10];
	[tilespmem:s9+$0xFFFFFFD0] =	vst v9;
	s12 =	sadd.s32 $0x100, s12  }
0xb4: {  	[tilespmem:s9+$0xFFFFFFE0] =	vst v3;
	s0 =	sadd.s32 s7, s8  }
0xb5: {  	[tilespmem:s9+$0xFFFFFFF0] =	vst v2;
	s0 =	smul.u32 $0x1400, s0  }
0xb6: {  	[tilespmem:s9+$0x0] =	vst v4  }
0xb7: {  	[tilespmem:s9+$0x10] =	vst v5;
	s0 =	sshrl.u32 s0, $0x3  }
0xb8: {  	[tilespmem:s9+$0x20] =	vst v1;
	s0 =	sadd.s32 s2, s0  }
0xb9: {  	[tilespmem:s9+$0xFFFFFFC0] =	vst v6;
	s0 =	sadd.s32 $0x500, s0  }
0xba: {  	[tilespmem:s17], [sflag:$0x1] =	stream.linear.gather [hbm4b:s0+s4], $0x1400, $0x38;
	[tilespmem:$0x1FE00] =	vst v63  }
0xbb: {  	_ = 	snop  }
0xbc: {  	[spmem:s3] =	stream.indirect.scatter.add.f32 [tilespmem:s22], [sflag:$0x3], $0x1, s21, s20, $0xb8;
	[tilespmem:$0x1FE00] =	vst v63  }
0xbd: {  	_ = 	snop  }
0xbe: {  	[spmem:s3] =	stream.indirect.scatter.add.f32 [tilespmem:s24], [sflag:$0x4], $0x1, s23, s20, $0xb8;
	[tilespmem:$0x1FE00] =	vst v63  }
0xbf: {  	_ =	swait.ge [sflag:s25], $0x1400  }
0xc0: {  	[sflag:s25] =	ssyncset.done $0x0  }
0xc1: {  	s0 =	simm.s32 @!p1 $0x5;
	[sflag:s25] =	ssyncadd.s32 $0xFFFFEC00  }
0xc2: {  	_ =	swait.ge @!p1 [sflag:s0], $0x500  }
0xc3: {  	[sflag:s0] =	ssyncset.done @!p1 $0x0  }
0xc4: {  	[sflag:s0] =	ssyncadd.s32 @!p1 $0xFFFFFB00;
	s0 =	simm.s32 @!p1 $0x6  }
0xc5: {  	_ =	swait.ge @!p1 [sflag:s0], $0x500  }
0xc6: {  	[sflag:s0] =	ssyncset.done @!p1 $0x0  }
0xc7: {  	s12 =	simm.s32 $0x19B80;
	[sflag:s0] =	ssyncadd.s32 @!p1 $0xFFFFFB00  }
0xc8: {  	v1 =	vld [tilespmem:s12+$0x70]  }
0xc9: {  	v2 =	vld [tilespmem:s12+$0x10]  }
0xca: {  	v3 =	vld [tilespmem:s12+$0x20]  }
0xcb: {  	v4 =	vld [tilespmem:s12+$0x30]  }
0xcc: {  	v5 =	vld [tilespmem:s12+$0x40]  }
0xcd: {  	v6 =	vld [tilespmem:s12+$0x50]  }
0xce: {  	v7 =	vld [tilespmem:s12+$0x60]  }
0xcf: {  	v8 =	vld [tilespmem:s12+$0x0]  }
0xd0: {  	v1 =	vld.idx.msk [tilespmem:v1+s4+$0x0], $0xffff  }
0xd1: {  	v2 =	vld.idx.msk [tilespmem:v2+s4+$0x0], $0xffff  }
0xd2: {  	v3 =	vld.idx.msk [tilespmem:v3+s4+$0x0], $0xffff  }
0xd3: {  	v4 =	vld.idx.msk [tilespmem:v4+s4+$0x0], $0xffff  }
0xd4: {  	v5 =	vld.idx.msk [tilespmem:v5+s4+$0x0], $0xffff  }
0xd5: {  	s14 =	simm.s32 $0x1CD40;
	v6 =	vld.idx.msk [tilespmem:v6+s4+$0x0], $0xffff  }
0xd6: {  	v7 =	vld.idx.msk [tilespmem:v7+s4+$0x0], $0xffff;
	[tilespmem:s14+$0x30] =	vst v1  }
0xd7: {  	v8 =	vld.idx.msk [tilespmem:v8+s4+$0x0], $0xffff;
	[tilespmem:s14+$0xFFFFFFD0] =	vst v2  }
0xd8: {  	[tilespmem:s14+$0xFFFFFFE0] =	vst v3;
	v9 =	vld [tilespmem:s12+$0xFFFFFFF0]  }
0xd9: {  	[tilespmem:s14+$0xFFFFFFF0] =	vst v4;
	v10 =	vld [tilespmem:s12+$0xFFFFFF90]  }
0xda: {  	[tilespmem:s14+$0x0] =	vst v5;
	v1 =	vld [tilespmem:s12+$0xFFFFFFA0]  }
0xdb: {  	[tilespmem:s14+$0x10] =	vst v6;
	v2 =	vld [tilespmem:s12+$0xFFFFFFB0]  }
0xdc: {  	[tilespmem:s14+$0x20] =	vst v7;
	v3 =	vld [tilespmem:s12+$0xFFFFFFC0]  }
0xdd: {  	s31 =	simm.s32 $0x1B940;
	[tilespmem:s14+$0xFFFFFFC0] =	vst v8;
	v4 =	vld [tilespmem:s12+$0xFFFFFFD0]  }
0xde: {  	s13 =	simm.s32 $0x1A5F0;
	s10 =	simm.s32 $0x1D240;
	v5 =	vld [tilespmem:s12+$0xFFFFFFE0];
	[tilespmem:s31+$0x30] =	vst v9  }
0xdf: {  	s9 =	simm.s32 $0x1BE40;
	s0 =	simm.s32 $0x0;
	v6 =	vld [tilespmem:s12+$0xFFFFFF80];
	s12 =	simm.s32 $0x19C80;
	[tilespmem:s31+$0xFFFFFFD0] =	vst v10  }
.LBB2_9:
0xe0: {  	v7 =	vld [tilespmem:s12+$0x70];
	s0 =	sadd.s32 $0x80, s0;
	[tilespmem:s31+$0xFFFFFFE0] =	vst v1  }
0xe1: {  	v1 =	vld [tilespmem:s12+$0x10];
	p1 =	slt.u32 s0, $0x480;
	[tilespmem:s31+$0xFFFFFFF0] =	vst v2  }
0xe2: {  	v2 =	vld [tilespmem:s12+$0x20];
	[tilespmem:s31+$0x0] =	vst v3  }
0xe3: {  	v3 =	vld [tilespmem:s12+$0x30];
	[tilespmem:s31+$0x10] =	vst v4  }
0xe4: {  	v4 =	vld [tilespmem:s12+$0x40];
	[tilespmem:s31+$0xFFFFFFC0] =	vst v6  }
0xe5: {  	v6 =	vld [tilespmem:s12+$0x50];
	[tilespmem:s31+$0x20] =	vst v5  }
0xe6: {  	v5 =	vld [tilespmem:s12+$0x60]  }
0xe7: {  	v8 =	vld [tilespmem:s12+$0x0]  }
0xe8: {  	v7 =	vld.idx.msk [tilespmem:v7+s4+$0x0], $0xffff  }
0xe9: {  	v1 =	vld.idx.msk [tilespmem:v1+s4+$0x0], $0xffff  }
0xea: {  	v2 =	vld.idx.msk [tilespmem:v2+s4+$0x0], $0xffff  }
0xeb: {  	v3 =	vld.idx.msk [tilespmem:v3+s4+$0x0], $0xffff  }
0xec: {  	v4 =	vld.idx.msk [tilespmem:v4+s4+$0x0], $0xffff  }
0xed: {  	s14 =	sadd.s32 $0x80, s14;
	v6 =	vld.idx.msk [tilespmem:v6+s4+$0x0], $0xffff  }
0xee: {  	v5 =	vld.idx.msk [tilespmem:v5+s4+$0x0], $0xffff;
	[tilespmem:s14+$0x30] =	vst v7  }
0xef: {  	[tilespmem:s14+$0xFFFFFFD0] =	vst v1;
	v7 =	vld [tilespmem:s12+$0xFFFFFFF0]  }
0xf0: {  	v8 =	vld.idx.msk [tilespmem:v8+s4+$0x0], $0xffff;
	[tilespmem:s14+$0xFFFFFFE0] =	vst v2  }
0xf1: {  	v9 =	vld [tilespmem:s12+$0xFFFFFF90];
	[tilespmem:s14+$0xFFFFFFF0] =	vst v3  }
0xf2: {  	v1 =	vld [tilespmem:s12+$0xFFFFFFA0];
	[tilespmem:s14+$0x0] =	vst v4  }
.Ltmp5:
0xf3: {  	s31 =	sadd.s32 $0x80, s31;
	v2 =	vld [tilespmem:s12+$0xFFFFFFB0];
	[tilespmem:s14+$0x10] =	vst v6;
	(pc) =	sbr.rel @p1 .LBB2_9-.Ltmp5, $4  }
0xf4: {  	v3 =	vld [tilespmem:s12+$0xFFFFFFC0];
	[tilespmem:s31+$0x30] =	vst v7  }
0xf5: {  	v4 =	vld [tilespmem:s12+$0xFFFFFFD0];
	[tilespmem:s14+$0x20] =	vst v5  }
0xf6: {  	[tilespmem:s14+$0xFFFFFFC0] =	vst v8;
	v5 =	vld [tilespmem:s12+$0xFFFFFFE0]  }
0xf7: {  	v6 =	vld [tilespmem:s12+$0xFFFFFF80];
	[tilespmem:s31+$0xFFFFFFD0] =	vst v9;
	s12 =	sadd.s32 $0x100, s12  }
0xf8: {  	[tilespmem:s31+$0xFFFFFFE0] =	vst v1  }
0xf9: {  	[tilespmem:s31+$0xFFFFFFF0] =	vst v2  }
0xfa: {  	[tilespmem:s31+$0x0] =	vst v3  }
0xfb: {  	[tilespmem:s31+$0x10] =	vst v4  }
0xfc: {  	[tilespmem:s31+$0x20] =	vst v5  }
0xfd: {  	[tilespmem:s31+$0xFFFFFFC0] =	vst v6  }
0xfe: {  	v1 =	vld [tilespmem:s13+$0x0]  }
0xff: {  	v2 =	vld [tilespmem:s13+$0xFFFFFFA0]  }
0x100: {  	v3 =	vld [tilespmem:s13+$0xFFFFFFB0]  }
0x101: {  	v4 =	vld [tilespmem:s13+$0xFFFFFFC0]  }
0x102: {  	v5 =	vld [tilespmem:s13+$0xFFFFFFD0]  }
0x103: {  	v6 =	vld [tilespmem:s13+$0xFFFFFFE0]  }
0x104: {  	v7 =	vld [tilespmem:s13+$0xFFFFFFF0]  }
0x105: {  	v8 =	vld [tilespmem:s13+$0xFFFFFF90]  }
0x106: {  	v1 =	vld.idx.msk [tilespmem:v1+s4+$0x0], $0xffff  }
0x107: {  	v2 =	vld.idx.msk [tilespmem:v2+s4+$0x0], $0xffff  }
0x108: {  	v3 =	vld.idx.msk [tilespmem:v3+s4+$0x0], $0xffff  }
0x109: {  	v4 =	vld.idx.msk [tilespmem:v4+s4+$0x0], $0xffff  }
0x10a: {  	v5 =	vld.idx.msk [tilespmem:v5+s4+$0x0], $0xffff  }
0x10b: {  	v6 =	vld.idx.msk [tilespmem:v6+s4+$0x0], $0xffff  }
0x10c: {  	v7 =	vld.idx.msk [tilespmem:v7+s4+$0x0], $0xffff;
	[tilespmem:s10+$0x30] =	vst v1  }
0x10d: {  	v8 =	vld.idx.msk [tilespmem:v8+s4+$0x0], $0xffff;
	[tilespmem:s10+$0xFFFFFFD0] =	vst v2  }
0x10e: {  	[tilespmem:s10+$0xFFFFFFE0] =	vst v3;
	v1 =	vld [tilespmem:s13+$0xFFFFFF80]  }
0x10f: {  	[tilespmem:s10+$0xFFFFFFF0] =	vst v4;
	v9 =	vld [tilespmem:s13+$0xFFFFFF20]  }
0x110: {  	[tilespmem:s10+$0x0] =	vst v5;
	v3 =	vld [tilespmem:s13+$0xFFFFFF30]  }
0x111: {  	[tilespmem:s10+$0x10] =	vst v6;
	v2 =	vld [tilespmem:s13+$0xFFFFFF40]  }
0x112: {  	[tilespmem:s10+$0x20] =	vst v7;
	v4 =	vld [tilespmem:s13+$0xFFFFFF50]  }
0x113: {  	[tilespmem:s10+$0xFFFFFFC0] =	vst v8;
	v5 =	vld [tilespmem:s13+$0xFFFFFF60]  }
0x114: {  	v6 =	vld [tilespmem:s13+$0xFFFFFF10];
	[tilespmem:s9+$0x30] =	vst v1  }
0x115: {  	s0 =	simm.s32 $0x0;
	s12 =	simm.s32 $0x1A6F0;
	v1 =	vld [tilespmem:s13+$0xFFFFFF70];
	[tilespmem:s9+$0xFFFFFFD0] =	vst v9  }
.LBB2_11:
0x116: {  	v7 =	vld [tilespmem:s12+$0x0];
	s0 =	sadd.s32 $0x80, s0;
	[tilespmem:s9+$0xFFFFFFE0] =	vst v3  }
0x117: {  	v3 =	vld [tilespmem:s12+$0xFFFFFFA0];
	p1 =	slt.u32 s0, $0x480;
	[tilespmem:s9+$0xFFFFFFF0] =	vst v2  }
0x118: {  	v2 =	vld [tilespmem:s12+$0xFFFFFFB0];
	[tilespmem:s9+$0x0] =	vst v4  }
0x119: {  	v4 =	vld [tilespmem:s12+$0xFFFFFFC0];
	[tilespmem:s9+$0x10] =	vst v5  }
0x11a: {  	v5 =	vld [tilespmem:s12+$0xFFFFFFD0];
	[tilespmem:s9+$0xFFFFFFC0] =	vst v6  }
0x11b: {  	v6 =	vld [tilespmem:s12+$0xFFFFFFE0];
	[tilespmem:s9+$0x20] =	vst v1  }
0x11c: {  	v1 =	vld [tilespmem:s12+$0xFFFFFFF0]  }
0x11d: {  	v8 =	vld [tilespmem:s12+$0xFFFFFF90]  }
0x11e: {  	v7 =	vld.idx.msk [tilespmem:v7+s4+$0x0], $0xffff  }
0x11f: {  	v3 =	vld.idx.msk [tilespmem:v3+s4+$0x0], $0xffff  }
0x120: {  	v2 =	vld.idx.msk [tilespmem:v2+s4+$0x0], $0xffff  }
0x121: {  	v4 =	vld.idx.msk [tilespmem:v4+s4+$0x0], $0xffff  }
0x122: {  	v5 =	vld.idx.msk [tilespmem:v5+s4+$0x0], $0xffff  }
0x123: {  	s10 =	sadd.s32 $0x80, s10;
	v6 =	vld.idx.msk [tilespmem:v6+s4+$0x0], $0xffff  }
0x124: {  	v1 =	vld.idx.msk [tilespmem:v1+s4+$0x0], $0xffff;
	[tilespmem:s10+$0x30] =	vst v7  }
0x125: {  	[tilespmem:s10+$0xFFFFFFD0] =	vst v3;
	v7 =	vld [tilespmem:s12+$0xFFFFFF80]  }
0x126: {  	v8 =	vld.idx.msk [tilespmem:v8+s4+$0x0], $0xffff;
	[tilespmem:s10+$0xFFFFFFE0] =	vst v2  }
0x127: {  	v9 =	vld [tilespmem:s12+$0xFFFFFF20];
	[tilespmem:s10+$0xFFFFFFF0] =	vst v4  }
0x128: {  	v3 =	vld [tilespmem:s12+$0xFFFFFF30];
	[tilespmem:s10+$0x0] =	vst v5  }
.Ltmp6:
0x129: {  	s9 =	sadd.s32 $0x80, s9;
	v2 =	vld [tilespmem:s12+$0xFFFFFF40];
	[tilespmem:s10+$0x10] =	vst v6;
	(pc) =	sbr.rel @p1 .LBB2_11-.Ltmp6, $4  }
0x12a: {  	v4 =	vld [tilespmem:s12+$0xFFFFFF50];
	[tilespmem:s9+$0x30] =	vst v7  }
0x12b: {  	v5 =	vld [tilespmem:s12+$0xFFFFFF60];
	[tilespmem:s10+$0x20] =	vst v1  }
0x12c: {  	[tilespmem:s10+$0xFFFFFFC0] =	vst v8;
	v1 =	vld [tilespmem:s12+$0xFFFFFF70]  }
0x12d: {  	v6 =	vld [tilespmem:s12+$0xFFFFFF10];
	[tilespmem:s9+$0xFFFFFFD0] =	vst v9;
	s12 =	sadd.s32 $0x100, s12  }
0x12e: {  	[tilespmem:s9+$0xFFFFFFE0] =	vst v3;
	s0 =	sadd.s32 s8, s11  }
0x12f: {  	[tilespmem:s9+$0xFFFFFFF0] =	vst v2;
	s0 =	smul.u32 $0x1400, s0  }
0x130: {  	[tilespmem:s9+$0x0] =	vst v4  }
0x131: {  	[tilespmem:s9+$0x10] =	vst v5;
	s0 =	sshrl.u32 s0, $0x3  }
0x132: {  	s15 =	sadd.s32 $0x1, s15;
	[tilespmem:s9+$0x20] =	vst v1;
	s0 =	sadd.s32 s2, s0  }
0x133: {  	p1 =	sne.s32 s15, $0x27;
	[tilespmem:s9+$0xFFFFFFC0] =	vst v6;
	s0 =	sadd.s32 $0x500, s0  }
0x134: {  	[tilespmem:s18], [sflag:$0x2] =	stream.linear.gather [hbm4b:s0+s4], $0x1400, $0x38;
	[tilespmem:$0x1FE00] =	vst v63  }
.Ltmp7:
0x135: {  	_ = 	snop;
	(pc) =	sbr.rel @p1 .LBB2_4-.Ltmp7, $4  }
0x136: {  	_ = 	snop  }
0x137: {  	[spmem:s3] =	stream.indirect.scatter.add.f32 [tilespmem:s28], [sflag:$0x5], $0x1, s26, s20, $0xb8;
	[tilespmem:$0x1FE00] =	vst v63  }
0x138: {  	_ = 	snop  }
0x139: {  	[spmem:s3] =	stream.indirect.scatter.add.f32 [tilespmem:s30], [sflag:$0x6], $0x1, s29, s20, $0xb8;
	[tilespmem:$0x1FE00] =	vst v63  }
0x13a: {  	s0 =	simm.s32 $0x3  }
0x13b: {  	_ =	swait.ge [sflag:s0], $0x500  }
0x13c: {  	[sflag:s0] =	ssyncset.done $0x0  }
0x13d: {  	s15 =	simm.s32 $0x4;
	[sflag:s0] =	ssyncadd.s32 $0xFFFFFB00  }
0x13e: {  	_ =	swait.ge [sflag:s15], $0x500  }
0x13f: {  	[sflag:s15] =	ssyncset.done $0x0  }
0x140: {  	s31 =	simm.s32 $0x5;
	[sflag:s15] =	ssyncadd.s32 $0xFFFFFB00  }
0x141: {  	_ =	swait.ge [sflag:s31], $0x500  }
0x142: {  	[sflag:s31] =	ssyncset.done $0x0  }
0x143: {  	[sflag:s31] =	ssyncadd.s32 $0xFFFFFB00  }
0x144: {  	_ =	swait.ge [sflag:s1], $0x500  }
0x145: {  	[sflag:s1] =	ssyncset.done $0x0  }
0x146: {  	[sflag:s1] =	ssyncadd.s32 $0xFFFFFB00  }
0x147: {  	_ =	swait.ge [sflag:s19], $0x1400  }
.Ltmp8:
0x148: {  	[sflag:s19] =	ssyncset.done $0x0;
	(pc) =	sbr.rel @p0 .LBB2_19-.Ltmp8, $4  }
0x149: {  	[sflag:s19] =	ssyncadd.s32 $0xFFFFEC00  }
0x14a: {  	_ =	swait.ge [sflag:s25], $0x1400  }
0x14b: {  	[sflag:s25] =	ssyncset.done $0x0  }
0x14c: {  	[sflag:s25] =	ssyncadd.s32 $0xFFFFEC00  }
0x14d: {  	s0 =	rddreg [dreg:$0x8]  }
0x14e: {  	[tilespmem:s17], [sflag:$0x7] =	stream.linear.gather [hbm4b:s0+s4], $0x1400, $0x38;
	[tilespmem:$0x1FE00] =	vst v63  }
0x14f: {  	_ =	swait.ge [sflag:s16], $0x1400  }
0x150: {  	[sflag:s16] =	ssyncset.done $0x0  }
0x151: {  	s8 =	simm.s32 $0x18780;
	[sflag:s16] =	ssyncadd.s32 $0xFFFFEC00  }
0x152: {  	v1 =	vld [tilespmem:s8+$0x70]  }
0x153: {  	v2 =	vld [tilespmem:s8+$0x10]  }
0x154: {  	v3 =	vld [tilespmem:s8+$0x20]  }
0x155: {  	v4 =	vld [tilespmem:s8+$0x30]  }
0x156: {  	v5 =	vld [tilespmem:s8+$0x40]  }
0x157: {  	v6 =	vld [tilespmem:s8+$0x50]  }
0x158: {  	v7 =	vld [tilespmem:s8+$0x60]  }
0x159: {  	v8 =	vld [tilespmem:s8+$0x0]  }
0x15a: {  	v1 =	vld.idx.msk [tilespmem:v1+s4+$0x0], $0xffff  }
0x15b: {  	v2 =	vld.idx.msk [tilespmem:v2+s4+$0x0], $0xffff  }
0x15c: {  	v3 =	vld.idx.msk [tilespmem:v3+s4+$0x0], $0xffff  }
0x15d: {  	v4 =	vld.idx.msk [tilespmem:v4+s4+$0x0], $0xffff  }
0x15e: {  	v5 =	vld.idx.msk [tilespmem:v5+s4+$0x0], $0xffff  }
0x15f: {  	s10 =	simm.s32 $0x1C340;
	v6 =	vld.idx.msk [tilespmem:v6+s4+$0x0], $0xffff  }
0x160: {  	v7 =	vld.idx.msk [tilespmem:v7+s4+$0x0], $0xffff;
	[tilespmem:s10+$0x30] =	vst v1  }
0x161: {  	v8 =	vld.idx.msk [tilespmem:v8+s4+$0x0], $0xffff;
	[tilespmem:s10+$0xFFFFFFD0] =	vst v2  }
0x162: {  	[tilespmem:s10+$0xFFFFFFE0] =	vst v3;
	v9 =	vld [tilespmem:s8+$0xFFFFFFF0]  }
0x163: {  	[tilespmem:s10+$0xFFFFFFF0] =	vst v4;
	v10 =	vld [tilespmem:s8+$0xFFFFFF90]  }
0x164: {  	[tilespmem:s10+$0x0] =	vst v5;
	v1 =	vld [tilespmem:s8+$0xFFFFFFA0]  }
0x165: {  	[tilespmem:s10+$0x10] =	vst v6;
	v2 =	vld [tilespmem:s8+$0xFFFFFFB0]  }
0x166: {  	[tilespmem:s10+$0x20] =	vst v7;
	v3 =	vld [tilespmem:s8+$0xFFFFFFC0]  }
0x167: {  	s13 =	simm.s32 $0x1AF40;
	[tilespmem:s10+$0xFFFFFFC0] =	vst v8;
	v5 =	vld [tilespmem:s8+$0xFFFFFFD0]  }
0x168: {  	v4 =	vld [tilespmem:s8+$0xFFFFFFE0];
	[tilespmem:s13+$0x30] =	vst v9  }
0x169: {  	s14 =	simm.s32 $0x18880;
	s0 =	simm.s32 $0x0;
	v6 =	vld [tilespmem:s8+$0xFFFFFF80];
	[tilespmem:s13+$0xFFFFFFD0] =	vst v10  }
.LBB2_15:
0x16a: {  	v7 =	vld [tilespmem:s14+$0x70];
	s0 =	sadd.s32 $0x80, s0;
	[tilespmem:s13+$0xFFFFFFE0] =	vst v1  }
0x16b: {  	v1 =	vld [tilespmem:s14+$0x10];
	p1 =	slt.u32 s0, $0x480;
	[tilespmem:s13+$0xFFFFFFF0] =	vst v2  }
0x16c: {  	v2 =	vld [tilespmem:s14+$0x20];
	[tilespmem:s13+$0x0] =	vst v3  }
0x16d: {  	v3 =	vld [tilespmem:s14+$0x30];
	[tilespmem:s13+$0x10] =	vst v5  }
0x16e: {  	v5 =	vld [tilespmem:s14+$0x40];
	[tilespmem:s13+$0xFFFFFFC0] =	vst v6  }
0x16f: {  	v6 =	vld [tilespmem:s14+$0x50];
	[tilespmem:s13+$0x20] =	vst v4  }
0x170: {  	v4 =	vld [tilespmem:s14+$0x60]  }
0x171: {  	v8 =	vld [tilespmem:s14+$0x0]  }
0x172: {  	v7 =	vld.idx.msk [tilespmem:v7+s4+$0x0], $0xffff  }
0x173: {  	v1 =	vld.idx.msk [tilespmem:v1+s4+$0x0], $0xffff  }
0x174: {  	v2 =	vld.idx.msk [tilespmem:v2+s4+$0x0], $0xffff  }
0x175: {  	v3 =	vld.idx.msk [tilespmem:v3+s4+$0x0], $0xffff  }
0x176: {  	v5 =	vld.idx.msk [tilespmem:v5+s4+$0x0], $0xffff  }
0x177: {  	s10 =	sadd.s32 $0x80, s10;
	v6 =	vld.idx.msk [tilespmem:v6+s4+$0x0], $0xffff  }
0x178: {  	v4 =	vld.idx.msk [tilespmem:v4+s4+$0x0], $0xffff;
	[tilespmem:s10+$0x30] =	vst v7  }
0x179: {  	[tilespmem:s10+$0xFFFFFFD0] =	vst v1;
	v7 =	vld [tilespmem:s14+$0xFFFFFFF0]  }
0x17a: {  	v8 =	vld.idx.msk [tilespmem:v8+s4+$0x0], $0xffff;
	[tilespmem:s10+$0xFFFFFFE0] =	vst v2  }
0x17b: {  	v9 =	vld [tilespmem:s14+$0xFFFFFF90];
	[tilespmem:s10+$0xFFFFFFF0] =	vst v3  }
0x17c: {  	v1 =	vld [tilespmem:s14+$0xFFFFFFA0];
	[tilespmem:s10+$0x0] =	vst v5  }
.Ltmp9:
0x17d: {  	s13 =	sadd.s32 $0x80, s13;
	v2 =	vld [tilespmem:s14+$0xFFFFFFB0];
	[tilespmem:s10+$0x10] =	vst v6;
	(pc) =	sbr.rel @p1 .LBB2_15-.Ltmp9, $4  }
0x17e: {  	s12 =	simm.s32 $0x191F0;
	s8 =	simm.s32 $0x1B440;
	s9 =	simm.s32 $0x1C840;
	v3 =	vld [tilespmem:s14+$0xFFFFFFC0];
	[tilespmem:s13+$0x30] =	vst v7  }
0x17f: {  	v5 =	vld [tilespmem:s14+$0xFFFFFFD0];
	[tilespmem:s10+$0x20] =	vst v4  }
0x180: {  	[tilespmem:s10+$0xFFFFFFC0] =	vst v8;
	v4 =	vld [tilespmem:s14+$0xFFFFFFE0]  }
0x181: {  	v6 =	vld [tilespmem:s14+$0xFFFFFF80];
	[tilespmem:s13+$0xFFFFFFD0] =	vst v9;
	s14 =	sadd.s32 $0x100, s14  }
0x182: {  	[tilespmem:s13+$0xFFFFFFE0] =	vst v1  }
0x183: {  	[tilespmem:s13+$0xFFFFFFF0] =	vst v2  }
0x184: {  	[tilespmem:s13+$0x0] =	vst v3  }
0x185: {  	[tilespmem:s13+$0x10] =	vst v5  }
0x186: {  	[tilespmem:s13+$0x20] =	vst v4  }
0x187: {  	[tilespmem:s13+$0xFFFFFFC0] =	vst v6  }
0x188: {  	v1 =	vld [tilespmem:s12+$0x0]  }
0x189: {  	v2 =	vld [tilespmem:s12+$0xFFFFFFA0]  }
0x18a: {  	v3 =	vld [tilespmem:s12+$0xFFFFFFB0]  }
0x18b: {  	v4 =	vld [tilespmem:s12+$0xFFFFFFC0]  }
0x18c: {  	v5 =	vld [tilespmem:s12+$0xFFFFFFD0]  }
0x18d: {  	v6 =	vld [tilespmem:s12+$0xFFFFFFE0]  }
0x18e: {  	v7 =	vld [tilespmem:s12+$0xFFFFFFF0]  }
0x18f: {  	v8 =	vld [tilespmem:s12+$0xFFFFFF90]  }
0x190: {  	v1 =	vld.idx.msk [tilespmem:v1+s4+$0x0], $0xffff  }
0x191: {  	v2 =	vld.idx.msk [tilespmem:v2+s4+$0x0], $0xffff  }
0x192: {  	v3 =	vld.idx.msk [tilespmem:v3+s4+$0x0], $0xffff  }
0x193: {  	v4 =	vld.idx.msk [tilespmem:v4+s4+$0x0], $0xffff  }
0x194: {  	v5 =	vld.idx.msk [tilespmem:v5+s4+$0x0], $0xffff  }
0x195: {  	v6 =	vld.idx.msk [tilespmem:v6+s4+$0x0], $0xffff  }
0x196: {  	v7 =	vld.idx.msk [tilespmem:v7+s4+$0x0], $0xffff;
	[tilespmem:s9+$0x30] =	vst v1  }
0x197: {  	v8 =	vld.idx.msk [tilespmem:v8+s4+$0x0], $0xffff;
	[tilespmem:s9+$0xFFFFFFD0] =	vst v2  }
0x198: {  	[tilespmem:s9+$0xFFFFFFE0] =	vst v3;
	v9 =	vld [tilespmem:s12+$0xFFFFFF80]  }
0x199: {  	[tilespmem:s9+$0xFFFFFFF0] =	vst v4;
	v10 =	vld [tilespmem:s12+$0xFFFFFF20]  }
0x19a: {  	[tilespmem:s9+$0x0] =	vst v5;
	v1 =	vld [tilespmem:s12+$0xFFFFFF30]  }
0x19b: {  	[tilespmem:s9+$0x10] =	vst v6;
	v2 =	vld [tilespmem:s12+$0xFFFFFF40]  }
0x19c: {  	[tilespmem:s9+$0x20] =	vst v7;
	v3 =	vld [tilespmem:s12+$0xFFFFFF50]  }
0x19d: {  	[tilespmem:s9+$0xFFFFFFC0] =	vst v8;
	v5 =	vld [tilespmem:s12+$0xFFFFFF60]  }
0x19e: {  	v4 =	vld [tilespmem:s12+$0xFFFFFF70];
	[tilespmem:s8+$0x30] =	vst v9  }
0x19f: {  	s0 =	simm.s32 $0x0;
	s10 =	simm.s32 $0x192F0;
	v6 =	vld [tilespmem:s12+$0xFFFFFF10];
	[tilespmem:s8+$0xFFFFFFD0] =	vst v10  }
.LBB2_17:
0x1a0: {  	v7 =	vld [tilespmem:s10+$0x0];
	s0 =	sadd.s32 $0x80, s0;
	[tilespmem:s8+$0xFFFFFFE0] =	vst v1  }
0x1a1: {  	v1 =	vld [tilespmem:s10+$0xFFFFFFA0];
	p1 =	slt.u32 s0, $0x480;
	[tilespmem:s8+$0xFFFFFFF0] =	vst v2  }
0x1a2: {  	v2 =	vld [tilespmem:s10+$0xFFFFFFB0];
	[tilespmem:s8+$0x0] =	vst v3  }
0x1a3: {  	v3 =	vld [tilespmem:s10+$0xFFFFFFC0];
	[tilespmem:s8+$0x10] =	vst v5  }
0x1a4: {  	v5 =	vld [tilespmem:s10+$0xFFFFFFD0];
	[tilespmem:s8+$0xFFFFFFC0] =	vst v6  }
0x1a5: {  	v6 =	vld [tilespmem:s10+$0xFFFFFFE0];
	[tilespmem:s8+$0x20] =	vst v4  }
0x1a6: {  	v4 =	vld [tilespmem:s10+$0xFFFFFFF0]  }
0x1a7: {  	v8 =	vld [tilespmem:s10+$0xFFFFFF90]  }
0x1a8: {  	v7 =	vld.idx.msk [tilespmem:v7+s4+$0x0], $0xffff  }
0x1a9: {  	v1 =	vld.idx.msk [tilespmem:v1+s4+$0x0], $0xffff  }
0x1aa: {  	v2 =	vld.idx.msk [tilespmem:v2+s4+$0x0], $0xffff  }
0x1ab: {  	v3 =	vld.idx.msk [tilespmem:v3+s4+$0x0], $0xffff  }
0x1ac: {  	v5 =	vld.idx.msk [tilespmem:v5+s4+$0x0], $0xffff  }
0x1ad: {  	s9 =	sadd.s32 $0x80, s9;
	v6 =	vld.idx.msk [tilespmem:v6+s4+$0x0], $0xffff  }
0x1ae: {  	v4 =	vld.idx.msk [tilespmem:v4+s4+$0x0], $0xffff;
	[tilespmem:s9+$0x30] =	vst v7  }
0x1af: {  	[tilespmem:s9+$0xFFFFFFD0] =	vst v1;
	v7 =	vld [tilespmem:s10+$0xFFFFFF80]  }
0x1b0: {  	v8 =	vld.idx.msk [tilespmem:v8+s4+$0x0], $0xffff;
	[tilespmem:s9+$0xFFFFFFE0] =	vst v2  }
0x1b1: {  	v9 =	vld [tilespmem:s10+$0xFFFFFF20];
	[tilespmem:s9+$0xFFFFFFF0] =	vst v3  }
0x1b2: {  	v1 =	vld [tilespmem:s10+$0xFFFFFF30];
	[tilespmem:s9+$0x0] =	vst v5  }
.Ltmp10:
0x1b3: {  	s8 =	sadd.s32 $0x80, s8;
	v2 =	vld [tilespmem:s10+$0xFFFFFF40];
	[tilespmem:s9+$0x10] =	vst v6;
	(pc) =	sbr.rel @p1 .LBB2_17-.Ltmp10, $4  }
0x1b4: {  	v3 =	vld [tilespmem:s10+$0xFFFFFF50];
	[tilespmem:s8+$0x30] =	vst v7  }
0x1b5: {  	v5 =	vld [tilespmem:s10+$0xFFFFFF60];
	[tilespmem:s9+$0x20] =	vst v4  }
0x1b6: {  	[tilespmem:s9+$0xFFFFFFC0] =	vst v8;
	v4 =	vld [tilespmem:s10+$0xFFFFFF70]  }
0x1b7: {  	v6 =	vld [tilespmem:s10+$0xFFFFFF10];
	[tilespmem:s8+$0xFFFFFFD0] =	vst v9;
	s10 =	sadd.s32 $0x100, s10  }
0x1b8: {  	[tilespmem:s8+$0xFFFFFFE0] =	vst v1  }
0x1b9: {  	[tilespmem:s8+$0xFFFFFFF0] =	vst v2  }
0x1ba: {  	[tilespmem:s8+$0x0] =	vst v3  }
0x1bb: {  	[tilespmem:s8+$0x10] =	vst v5  }
0x1bc: {  	[tilespmem:s8+$0x20] =	vst v4  }
0x1bd: {  	[tilespmem:s8+$0xFFFFFFC0] =	vst v6  }
0x1be: {  	[spmem:s3] =	stream.indirect.scatter.add.f32 [tilespmem:s22], [sflag:$0x7], $0x1, s21, s20, $0xb8;
	[tilespmem:$0x1FE00] =	vst v63  }
0x1bf: {  	_ =	swait.ge [sflag:s16], $0x500  }
0x1c0: {  	[sflag:s16] =	ssyncset.done $0x0  }
.Ltmp11:
0x1c1: {  	[sflag:s16] =	ssyncadd.s32 $0xFFFFFB00;
	(pc) =	sbr.rel .LBB2_19-.Ltmp11, $4  }
0x1c2: {  	[spmem:s3] =	stream.indirect.scatter.add.f32 [tilespmem:s24], [sflag:$0x7], $0x1, s23, s20, $0xb8;
	[tilespmem:$0x1FE00] =	vst v63  }
0x1c3: {  	_ =	swait.ge [sflag:s16], $0x500  }
0x1c4: {  	[sflag:s16] =	ssyncset.done $0x0  }
0x1c5: {  	[sflag:s16] =	ssyncadd.s32 $0xFFFFFB00  }
.LBB2_20:
0x1c6: {  	_ =	sfence.sel $0x180000  }
0x1c7: {  	[bflag:$0x0] =	sbarrier.arrive $0xFFFF  }
0x1c8: {  	_ =	strace $0x90000047  }
0x1c9: {  	s0 =	stileid.u32;
	[bflag:$0x2] =	sbarrier.arrive $0xFFFF  }
0x1ca: {  	p0 =	sne.s32 s0, $0x0;
	s0 =	rddreg [dreg:$0x3]  }
0x1cb: {  	s0 =	sadd.s32 @!p0 $0x100000, s0  }
0x1cc: {  	[sflag:s0] =	ssyncadd.tile.s32 @!p0 $0x1;
	_ =	shalt  }
.Lfunc_end2:
_tile_overlayer_lowered:
.L_overlay_start_2:
0x1cd: {  	(tag) =	ssettag $0x2  }
0x1ce: {  	s0 =	rddreg [dreg:$0x0];
	s2 =	stileid.u32  }
0x1cf: {  	s1 =	rddreg [dreg:$0x1];
	p0 =	sne.s32 s2, $0x0  }
0x1d0: {  	s3 =	rddreg [dreg:$0x2];
	[bflag:$0x3] =	sbarrier.arrive $0xFFFF;
	s2 =	simm.s32 @!p0 $0x1C07  }
0x1d1: {  	[timem:s3], [sflag:s2] =	dma.local @!p0 [hbm:s0], s1  }
0x1d2: {  	s0 =	simm.s32 @!p0 $0x7  }
0x1d3: {  	_ =	swait.ge @!p0 [sflag:s0], s1  }
0x1d4: {  	s1 =	ssub.s32 @!p0 $0x0, s1;
	[sflag:s0] =	ssyncset.done @!p0 $0x0  }
0x1d5: {  	[sflag:s0] =	ssyncadd.s32 @!p0 s1  }
0x1d6: {  	[bflag:$0x3] =	sbarrier.arrive $0xFFFF  }
0x1d7: {  	_ =	shalt  }

</sc_bundles>
